<compile_context>
chip_gen: v7x
topology: tpu7x:2x2x1
jax: 0.10.2.dev20260603
libtpu: 0.0.44.dev20260713+nightly
codegen_flags: <defaults>
</compile_context>

<pallas_src>
import functools

import jax
import jax.numpy as jnp
from jax import lax
from jax.experimental import pallas as pl
from jax.experimental.pallas import tpu as pltpu
from jax.experimental.pallas import tpu_sc as plsc

NB = 10000
K = 10
SZ = 128
ALPHA = 32.0
MRG = 0.1
ROWS = NB * K
RBLK = 10000
NBLK = ROWS // RBLK
GB = 1280


def _sc_gather(proxies, idx):
    info = plsc.get_sparse_core_info()
    nw = info.num_cores * info.num_subcores
    bpw = GB // nw
    mesh = plsc.VectorSubcoreMesh(core_axis_name="c", subcore_axis_name="s")

    @functools.partial(
        pl.kernel,
        out_type=jax.ShapeDtypeStruct((GB, SZ), jnp.float32),
        mesh=mesh,
        scratch_types=[
            pltpu.VMEM((bpw,), jnp.int32),
            pltpu.VMEM((bpw, SZ), jnp.float32),
            pltpu.SemaphoreType.DMA,
        ],
    )
    def gk(table_hbm, idx_hbm, out_hbm, idx_v, rows_v, sem):
        wid = lax.axis_index("s") * info.num_cores + lax.axis_index("c")
        base = wid * bpw
        pltpu.sync_copy(idx_hbm.at[pl.ds(base, bpw)], idx_v)
        pltpu.async_copy(table_hbm.at[idx_v], rows_v, sem).wait()
        pltpu.sync_copy(rows_v, out_hbm.at[pl.ds(base, bpw)])

    return gk(proxies, idx)


def _s1_body(x_ref, p_ref, pcopy_ref, negsum_ref):
    x = x_ref[...]
    xn = x / jnp.sqrt(jnp.sum(x * x, axis=1, keepdims=True) + 1e-12)
    p = p_ref[...]
    pcopy_ref[...] = p
    pn = p / jnp.sqrt(jnp.sum(p * p, axis=1, keepdims=True) + 1e-12)
    cos = lax.dot_general(xn, pn, (((1,), (1,)), ((), ())))
    ns = jnp.sum(jnp.exp(ALPHA * (cos + MRG)), axis=0)
    negsum_ref[...] = ns.reshape(1, 1, RBLK)


def _stage1(X, proxies):
    return pl.pallas_call(
        _s1_body,
        grid=(NBLK,),
        in_specs=[
            pl.BlockSpec((SZ, SZ), lambda i: (0, 0)),
            pl.BlockSpec((RBLK, SZ), lambda i: (i, 0)),
        ],
        out_specs=[
            pl.BlockSpec((RBLK, SZ), lambda i: (i, 0)),
            pl.BlockSpec((1, 1, RBLK), lambda i: (i, 0, 0)),
        ],
        out_shape=[
            jax.ShapeDtypeStruct((ROWS, SZ), jnp.float32),
            jax.ShapeDtypeStruct((NBLK, 1, RBLK), jnp.float32),
        ],
        compiler_params=pltpu.CompilerParams(
            dimension_semantics=("parallel",)),
    )(X, proxies)


def _s2_body(pcopy_ref, x_ref, tcol_ref, trow_ref, g_ref, negsum_ref,
             loss_ref, pout_ref, sem):
    x = x_ref[...]
    xn = x / jnp.sqrt(jnp.sum(x * x, axis=1, keepdims=True) + 1e-12)
    g = g_ref[...]
    eyeio = (lax.broadcasted_iota(jnp.int32, (SZ, SZ), 1) ==
             lax.broadcasted_iota(jnp.int32, (SZ, SZ), 0))
    cols = []
    for k in range(K):
        gk = g[k * SZ:(k + 1) * SZ, :]
        gnk = gk / jnp.sqrt(jnp.sum(gk * gk, axis=1, keepdims=True) + 1e-12)
        mk = lax.dot_general(xn, gnk, (((1,), (1,)), ((), ())))
        cols.append(jnp.sum(jnp.where(eyeio, mk, 0.0), axis=1, keepdims=True))
    cosl = jnp.concatenate(cols, axis=1)
    pos = jnp.exp(-ALPHA * (cosl - MRG))
    negl = jnp.exp(ALPHA * (cosl + MRG))
    mc = [pos[:, 0:1]]
    sc = [pos[:, 0:1]]
    for k in range(1, K):
        mc.append(jnp.maximum(mc[-1], pos[:, k:k + 1]))
        sc.append(sc[-1] + pos[:, k:k + 1])
    M = jnp.concatenate(mc, axis=1)
    S = jnp.concatenate(sc, axis=1)
    kio = lax.broadcasted_iota(jnp.int32, (SZ, K), 1)
    condtab = ((M > 0.99) & (M < 1.01) & (kio < K - 1)).astype(jnp.float32)

    tcol = tcol_ref[...]
    trow = trow_ref[...]
    claseq = (tcol == trow).astype(jnp.float32)
    colio = lax.broadcasted_iota(jnp.int32, (SZ, SZ), 1)
    rowio = lax.broadcasted_iota(jnp.int32, (SZ, SZ), 0)
    lowseq = jnp.where(colio < rowio, claseq, 0.0)
    rank = jnp.sum(lowseq, axis=1, keepdims=True)

    F = kio.astype(jnp.float32) + condtab

    def compose(F, sel):
        G = lax.dot_general(sel, F, (((1,), (0,)), ((), ())))
        has = jnp.sum(sel, axis=1, keepdims=True) > 0.5
        comp = jnp.zeros_like(F)
        for u in range(K):
            comp = comp + jnp.where(G == u, F[:, u:u + 1], 0.0)
        return jnp.where(has, comp, F)

    hiseq = jnp.where(colio > rowio, claseq, 0.0)
    rrow = jnp.sum(hiseq, axis=0, keepdims=True)
    for d in (1, 2, 4, 8, 16, 32, 64):
        sel = jnp.where(rrow == rank - d, claseq, 0.0)
        F = compose(F, sel)
    sel1 = jnp.where(rrow == rank - 1, claseq, 0.0)
    Gexc = lax.dot_general(sel1, F, (((1,), (0,)), ((), ())))
    haspred = rank > 0.5
    t0f = jnp.where(haspred, Gexc[:, 0:1], 0.0)
    tvec = t0f.astype(jnp.int32) + 1
    condf = jnp.sum(jnp.where(kio == tvec - 1, condtab, 0.0),
                    axis=1, keepdims=True)

    s_col = jnp.sum(jnp.where(kio == tvec - 1, S, 0.0), axis=1, keepdims=True)
    psum = lax.dot_general(claseq, s_col, (((1,), (0,)), ((), ())),
                           precision=lax.Precision.HIGHEST)
    first = rank == 0
    nvalid = jnp.sum(first.astype(jnp.float32))
    pos_term = jnp.sum(jnp.where(first, jnp.log1p(psum), 0.0)) / nvalid

    cio = lax.broadcasted_iota(jnp.int32, (SZ, NB), 1)
    oT = (tcol == cio).astype(jnp.float32)
    ncond = lax.dot_general(condf, oT, (((0,), (0,)), ((), ())))
    corr = lax.dot_general(negl, oT, (((0,), (0,)), ((), ())))
    negsum = negsum_ref[...]
    tfull = 1 + ncond.astype(jnp.int32)
    k10 = lax.broadcasted_iota(jnp.int32, (K, NB), 0)
    nss = jnp.sum(jnp.where(k10 < tfull, negsum - corr, 0.0),
                  axis=0, keepdims=True)
    nss = jnp.maximum(nss, 0.0)
    neg_term = jnp.sum(jnp.log1p(nss)) / NB
    loss_ref[0, 0] = pos_term + neg_term

    rows = tcol + NB * tvec
    io = lax.broadcasted_iota(jnp.int32, (SZ, 1), 0)
    nfire = jnp.sum(condf)
    niter = jnp.where(nfire > 0.5, SZ, 0)

    def scatter(i, _):
        rowm = io == i
        ci = jnp.sum(jnp.where(rowm, condf, 0.0))
        r = jnp.sum(jnp.where(rowm, rows, 0))

        @pl.when(ci > 0.5)
        def _():
            cp = pltpu.make_async_copy(x_ref.at[i], pout_ref.at[r], sem)
            cp.start()
            cp.wait()

        return 0

    lax.fori_loop(0, niter, scatter, 0)


def _stage2(Pcopy, X, Tcol, Trow, G, negsum):
    return pl.pallas_call(
        _s2_body,
        in_specs=[
            pl.BlockSpec(memory_space=pl.ANY),
            pl.BlockSpec((SZ, SZ), lambda: (0, 0)),
            pl.BlockSpec((SZ, 1), lambda: (0, 0)),
            pl.BlockSpec((1, SZ), lambda: (0, 0)),
            pl.BlockSpec((GB, SZ), lambda: (0, 0)),
            pl.BlockSpec((K, NB), lambda: (0, 0)),
        ],
        out_specs=[
            pl.BlockSpec(memory_space=pltpu.SMEM),
            pl.BlockSpec(memory_space=pl.ANY),
        ],
        out_shape=[
            jax.ShapeDtypeStruct((1, 1), jnp.float32),
            jax.ShapeDtypeStruct((ROWS, SZ), jnp.float32),
        ],
        scratch_shapes=[pltpu.SemaphoreType.DMA],
        input_output_aliases={0: 1},
    )(Pcopy, X, Tcol, Trow, G, negsum)


def kernel(X, T, proxies):
    T = T.astype(jnp.int32)
    idx = (T[None, :] + NB * jnp.arange(K, dtype=jnp.int32)[:, None]).reshape(-1)
    G = _sc_gather(proxies, idx)
    Pcopy, negsum_raw = _stage1(X, proxies)
    negsum = negsum_raw.reshape(K, NB)
    loss11, P = _stage2(Pcopy, X, T.reshape(SZ, 1), T.reshape(1, SZ), G,
                        negsum)
    return loss11.reshape(()), P

# --- scband reference (transcript-rebuilt; emitter-appended) ---
"""Pipeline reference for scband-pyy-test-90933047591178 (READ-ONLY COPY).

The authoritative reference and input builder live on the scoring server;
editing this copy changes nothing except your own understanding.
"""

import jax, jax.numpy as jnp
import numpy as np

NB_CLASSES = 10000
SZ_EMBED = 128
SZ_BATCH = 128
K = 10
MRG = 0.1
ALPHA = 32.0


def l2_norm(x):
    normp = jnp.sum(jnp.power(x, 2), axis=1) + 1e-12
    norm = jnp.sqrt(normp)
    return x / norm[:, None]


def _forward(X, proxies, T):
    # P = self.proxies.detach()
    P = jax.lax.stop_gradient(proxies)
    # pNum: zeros(K, nb_classes) bool with first row True; pTotal: ones(nb_classes) int
    pNum = jnp.zeros((K, NB_CLASSES), dtype=bool).at[0, :].set(True)
    pTotal = jnp.ones((NB_CLASSES,), dtype=jnp.int32)
    cos = l2_norm(X) @ l2_norm(P).T
    P_one_hot = jax.nn.one_hot(T, NB_CLASSES, dtype=jnp.float32)  # binarize
    N_one_hot = 1.0 - P_one_hot
    pos_exp = jnp.exp(-ALPHA * (cos - MRG)).reshape(-1, K, NB_CLASSES)
    neg_exp = jnp.exp(ALPHA * (cos + MRG)).reshape(-1, K, NB_CLASSES)
    num_valid_proxies = jnp.sum(P_one_hot.sum(axis=0) != 0).astype(jnp.float32)
    labels = jnp.argmax(P_one_hot, axis=1)
    P_sim_rows = []
    for i in range(SZ_BATCH):
        label = labels[i]
        temp = jnp.where(pNum, pos_exp[i], jnp.zeros_like(pos_exp[i]))
        P_sim_rows.append(temp.sum(axis=0))
        m = jnp.max(temp[:, label])
        idx = pTotal[label]
        # torch: if 0.99 < temp[:,label].max() < 1.01 and pTotal[label] < 10
        cond = (m > 0.99) & (m < 1.01) & (idx < 10)
        pNum = pNum.at[idx, label].set(jnp.logical_or(cond, pNum[idx, label]))
        pos = label + NB_CLASSES * idx
        P = P.at[pos].set(jnp.where(cond, X[i], P[pos]))
        pTotal = pTotal.at[label].set(jnp.where(cond, idx + 1, idx))
    P_sim = jnp.stack(P_sim_rows, axis=0)
    P_sim_sum = jnp.where(P_one_hot == 1, P_sim, jnp.zeros_like(P_sim)).sum(axis=0)
    # second loop vectorized: N_sim[i] = where(pNum, neg_exp[i], 0).sum(0)
    N_sim = jnp.where(pNum[None, :, :], neg_exp, jnp.zeros_like(neg_exp)).sum(axis=1)
    N_sim_sum = jnp.where(N_one_hot == 1, N_sim, jnp.zeros_like(N_sim)).sum(axis=0)
    pos_term = jnp.log(1.0 + P_sim_sum).sum() / num_valid_proxies
    neg_term = jnp.log(1.0 + N_sim_sum).sum() / NB_CLASSES
    loss = pos_term + neg_term
    return (loss, P)


def setup_inputs(seed: int = 0) -> dict:
    key = jax.random.key(seed)
    k1, k2, k3 = jax.random.split(key, 3)
    X = jax.random.normal(k1, (SZ_BATCH, SZ_EMBED), dtype=jnp.float32)
    T = jax.random.randint(k2, (SZ_BATCH,), 0, NB_CLASSES, dtype=jnp.int32)
    # kaiming_normal_ mode='fan_out' on (nb_classes*K, sz_embed): std = sqrt(2/fan_out)
    proxies = jax.random.normal(k3, (NB_CLASSES * K, SZ_EMBED), dtype=jnp.float32) * float(np.sqrt(2.0 / (NB_CLASSES * K)))
    return {"X": X, "T": T, "proxies": proxies}


def reference(X, T, proxies):
    return _forward(X, proxies, T)

if __name__ == "__main__":
    import jax
    _d = setup_inputs()
    print(jax.jit(kernel)(*tuple(_d.values())))

</pallas_src>

<mosaic_0001>
#map = affine_map<(d0, d1) -> (0, 0)>
#map1 = affine_map<(d0, d1) -> (0)>
module attributes {stable_mosaic.version = 14 : i64} {
  func.func @gk(%arg0: i32, %arg1: i32, %arg2: memref<100000x128xf32, #tpu.memory_space<hbm>>, %arg3: memref<1280xi32, #tpu.memory_space<hbm>>, %arg4: memref<1280x128xf32, #tpu.memory_space<hbm>>, %arg5: memref<40xi32, #tpu.memory_space<vmem>>, %arg6: memref<40x128xf32, #tpu.memory_space<vmem>>, %arg7: memref<!tpu.dma_semaphore, #tpu.memory_space<semaphore_mem>>) attributes {dimension_semantics = [#tpu.dimension_semantics<core_parallel>, #tpu.dimension_semantics<subcore_parallel>], iteration_bounds = array<i64: 2, 16>, scalar_prefetch = 0 : i64, scratch_operands = 3 : i64, tpu.core_type = #tpu.core_type<sc_vector_subcore>, window_params = [{transform_indices = #map}, {transform_indices = #map1}, {transform_indices = #map}]} {
    %mul3A = arith.constant 2 : i32
    %mul3A_0 = arith.muli %arg1, %mul3A : i32
    %add3A = arith.addi %mul3A_0, %arg0 : i32
    %mul3A_1 = arith.constant 40 : i32
    %mul3A_2 = arith.muli %add3A, %mul3A_1 : i32
    "tpu.region"() ({
      %run_scoped3A = tpu.sem_alloc : memref<!tpu.dma_semaphore, #tpu.memory_space<semaphore_mem>>
      %dma_start3A_7 = tpu.memref_slice %arg3[%mul3A_2] : memref<1280xi32, #tpu.memory_space<hbm>> -> memref<40xi32, #tpu.memory_space<hbm>>
      %dma_start3A_8 = tpu.memref_slice %arg3[%mul3A_2] : memref<1280xi32, #tpu.memory_space<hbm>> -> memref<40xi32, #tpu.memory_space<hbm>>
      tpu.enqueue_dma source(%dma_start3A_8 : memref<40xi32, #tpu.memory_space<hbm>>) target(%arg5 : memref<40xi32, #tpu.memory_space<vmem>>) target_semaphore(%run_scoped3A : memref<!tpu.dma_semaphore, #tpu.memory_space<semaphore_mem>>)
      %dma_wait3A_9 = tpu.memref_slice %arg3[%mul3A_2] : memref<1280xi32, #tpu.memory_space<hbm>> -> memref<40xi32, #tpu.memory_space<hbm>>
      %dma_wait3A_10 = tpu.memref_slice %arg3[%mul3A_2] : memref<1280xi32, #tpu.memory_space<hbm>> -> memref<40xi32, #tpu.memory_space<hbm>>
      tpu.wait_dma2 semaphore(%run_scoped3A : memref<!tpu.dma_semaphore, #tpu.memory_space<semaphore_mem>>) src(%dma_wait3A_10 : memref<40xi32, #tpu.memory_space<hbm>>) dst(%arg5 : memref<40xi32, #tpu.memory_space<vmem>>)
      tpu.yield
    }) : () -> ()
    %dma_start3A = arith.constant 0 : i32
    %dma_start3A_3 = arith.constant 0 : i32
    %dma_start3A_4 = tpu.memref_slice %arg2[%dma_start3A, %dma_start3A_3] : memref<100000x128xf32, #tpu.memory_space<hbm>> -> memref<100000x128xf32, #tpu.memory_space<hbm>>
    tpu.enqueue_indirect_dma source(%dma_start3A_4 : memref<100000x128xf32, #tpu.memory_space<hbm>>) target(%arg6 : memref<40x128xf32, #tpu.memory_space<vmem>>) offsets(%arg5 : memref<40xi32, #tpu.memory_space<vmem>>) semaphore(%arg7 : memref<!tpu.dma_semaphore, #tpu.memory_space<semaphore_mem>>)
    %dma_wait3A = arith.constant 0 : i32
    %dma_wait3A_5 = arith.constant 0 : i32
    %dma_wait3A_6 = tpu.memref_slice %arg2[%dma_wait3A, %dma_wait3A_5] : memref<100000x128xf32, #tpu.memory_space<hbm>> -> memref<100000x128xf32, #tpu.memory_space<hbm>>
    tpu.wait_indirect_dma semaphore(%arg7 : memref<!tpu.dma_semaphore, #tpu.memory_space<semaphore_mem>>) src(%dma_wait3A_6 : memref<100000x128xf32, #tpu.memory_space<hbm>>) dst(%arg6 : memref<40x128xf32, #tpu.memory_space<vmem>>)
    "tpu.region"() ({
      %run_scoped3A = tpu.sem_alloc : memref<!tpu.dma_semaphore, #tpu.memory_space<semaphore_mem>>
      %dma_start3A_7 = arith.constant 0 : i32
      %dma_start3A_8 = tpu.memref_slice %arg4[%mul3A_2, %dma_start3A_7] : memref<1280x128xf32, #tpu.memory_space<hbm>> -> memref<40x128xf32, #tpu.memory_space<hbm>>
      %dma_start3A_9 = arith.constant 0 : i32
      %dma_start3A_10 = tpu.memref_slice %arg4[%mul3A_2, %dma_start3A_9] : memref<1280x128xf32, #tpu.memory_space<hbm>> -> memref<40x128xf32, #tpu.memory_space<hbm>>
      tpu.enqueue_dma source(%arg6 : memref<40x128xf32, #tpu.memory_space<vmem>>) target(%dma_start3A_10 : memref<40x128xf32, #tpu.memory_space<hbm>>) target_semaphore(%run_scoped3A : memref<!tpu.dma_semaphore, #tpu.memory_space<semaphore_mem>>)
      %dma_wait3A_11 = arith.constant 0 : i32
      %dma_wait3A_12 = tpu.memref_slice %arg4[%mul3A_2, %dma_wait3A_11] : memref<1280x128xf32, #tpu.memory_space<hbm>> -> memref<40x128xf32, #tpu.memory_space<hbm>>
      %dma_wait3A_13 = arith.constant 0 : i32
      %dma_wait3A_14 = tpu.memref_slice %arg4[%mul3A_2, %dma_wait3A_13] : memref<1280x128xf32, #tpu.memory_space<hbm>> -> memref<40x128xf32, #tpu.memory_space<hbm>>
      tpu.wait_dma2 semaphore(%run_scoped3A : memref<!tpu.dma_semaphore, #tpu.memory_space<semaphore_mem>>) src(%arg6 : memref<40x128xf32, #tpu.memory_space<vmem>>) dst(%dma_wait3A_14 : memref<40x128xf32, #tpu.memory_space<hbm>>)
      tpu.yield
    }) : () -> ()
    return
  }
}

module attributes {stable_mosaic.version = 14 : i64} {
  func.func @_s1_body(%arg0: i32, %arg1: memref<128x128xf32, #tpu.memory_space<vmem>>, %arg2: memref<10000x128xf32, #tpu.memory_space<vmem>>, %arg3: memref<10000x128xf32, #tpu.memory_space<vmem>>, %arg4: memref<1x1x10000xf32, #tpu.memory_space<vmem>>) attributes {dimension_semantics = [#tpu.dimension_semantics<parallel>], iteration_bounds = array<i64: 10>, scalar_prefetch = 0 : i64, scratch_operands = 0 : i64, tpu.core_type = #tpu.core_type<tc>, window_params = [{pipeline_mode = #tpu.pipeline_mode<synchronous>, transform_indices = @transform_0, window_bounds = array<i64: 128, 128>}, {transform_indices = @transform_1, window_bounds = array<i64: 10000, 128>}, {transform_indices = @transform_2, window_bounds = array<i64: 10000, 128>}, {transform_indices = @transform_3, window_bounds = array<i64: 1, 1, 10000>}]} {
    %get3A = arith.constant 0 : index
    %get3A_0 = arith.constant 0 : index
    %get3A_1 = vector.load %arg1[%get3A, %get3A_0] : memref<128x128xf32, #tpu.memory_space<vmem>>, vector<128x128xf32>
    %mul3A = arith.mulf %get3A_1, %get3A_1 : vector<128x128xf32>
    %reduce_sum3A = arith.constant dense<0.000000e+00> : vector<128xf32>
    %reduce_sum3A_2 = vector.multi_reduction <add>, %mul3A, %reduce_sum3A [1] : vector<128x128xf32> to vector<128xf32>
    %broadcast_in_dim3A = vector.shape_cast %reduce_sum3A_2 : vector<128xf32> to vector<128x1xf32>
    %add3A = arith.constant 9.99999996E-13 : f32
    %add3A_3 = vector.broadcast %add3A : f32 to vector<128x1xf32>
    %add3A_4 = arith.addf %broadcast_in_dim3A, %add3A_3 : vector<128x1xf32>
    %sqrt3A = math.sqrt %add3A_4 : vector<128x1xf32>
    %div3A = vector.broadcast %sqrt3A : vector<128x1xf32> to vector<128x128xf32>
    %div3A_5 = arith.divf %get3A_1, %div3A : vector<128x128xf32>
    %get3A_6 = arith.constant 0 : index
    %get3A_7 = arith.constant 0 : index
    %get3A_8 = vector.load %arg2[%get3A_6, %get3A_7] : memref<10000x128xf32, #tpu.memory_space<vmem>>, vector<10000x128xf32>
    %swap3A = arith.constant 0 : index
    %swap3A_9 = arith.constant 0 : index
    %swap3A_10 = vector.load %arg3[%swap3A, %swap3A_9] : memref<10000x128xf32, #tpu.memory_space<vmem>>, vector<10000x128xf32>
    tpu.vector_store %arg3[%swap3A, %swap3A_9], %get3A_8 {strides = array<i32>} : memref<10000x128xf32, #tpu.memory_space<vmem>>, vector<10000x128xf32>,
    %mul3A_11 = arith.mulf %get3A_8, %get3A_8 : vector<10000x128xf32>
    %reduce_sum3A_12 = arith.constant dense<0.000000e+00> : vector<10000xf32>
    %reduce_sum3A_13 = vector.multi_reduction <add>, %mul3A_11, %reduce_sum3A_12 [1] : vector<10000x128xf32> to vector<10000xf32>
    %broadcast_in_dim3A_14 = vector.shape_cast %reduce_sum3A_13 : vector<10000xf32> to vector<10000x1xf32>
    %add3A_15 = arith.constant 9.99999996E-13 : f32
    %add3A_16 = vector.broadcast %add3A_15 : f32 to vector<10000x1xf32>
    %add3A_17 = arith.addf %broadcast_in_dim3A_14, %add3A_16 : vector<10000x1xf32>
    %sqrt3A_18 = math.sqrt %add3A_17 : vector<10000x1xf32>
    %div3A_19 = vector.broadcast %sqrt3A_18 : vector<10000x1xf32> to vector<10000x128xf32>
    %div3A_20 = arith.divf %get3A_8, %div3A_19 : vector<10000x128xf32>
    %dot_general3A = arith.constant dense<0.000000e+00> : vector<128x10000xf32>
    %dot_general3A_21 = tpu.matmul %div3A_5, %div3A_20, %dot_general3A {dimension_numbers = #tpu.dot_dimension_numbers<[1], [1], [0], [0], [0, 0, 1, 0], [], []>, transpose_lhs_hint = false} : vector<128x128xf32>, vector<10000x128xf32>, vector<128x10000xf32> -> vector<128x10000xf32>
    %add3A_22 = arith.constant 1.000000e-01 : f32
    %add3A_23 = vector.broadcast %add3A_22 : f32 to vector<128x10000xf32>
    %add3A_24 = arith.addf %dot_general3A_21, %add3A_23 : vector<128x10000xf32>
    %mul3A_25 = arith.constant 3.200000e+01 : f32
    %mul3A_26 = vector.broadcast %mul3A_25 : f32 to vector<128x10000xf32>
    %mul3A_27 = arith.mulf %mul3A_26, %add3A_24 : vector<128x10000xf32>
    %exp3A = math.exp %mul3A_27 : vector<128x10000xf32>
    %reduce_sum3A_28 = arith.constant dense<0.000000e+00> : vector<10000xf32>
    %reduce_sum3A_29 = vector.multi_reduction <add>, %exp3A, %reduce_sum3A_28 [0] : vector<128x10000xf32> to vector<10000xf32>
    %reshape3A = vector.shape_cast %reduce_sum3A_29 : vector<10000xf32> to vector<1x1x10000xf32>
    %swap3A_30 = arith.constant 0 : index
    %swap3A_31 = arith.constant 0 : index
    %swap3A_32 = arith.constant 0 : index
    %swap3A_33 = vector.load %arg4[%swap3A_30, %swap3A_31, %swap3A_32] : memref<1x1x10000xf32, #tpu.memory_space<vmem>>, vector<1x1x10000xf32>
    tpu.vector_store %arg4[%swap3A_30, %swap3A_31, %swap3A_32], %reshape3A {strides = array<i32>} : memref<1x1x10000xf32, #tpu.memory_space<vmem>>, vector<1x1x10000xf32>,
    return
  }
  func.func @transform_0(%arg0: i32) -> (i32, i32) {
    %c0_i32 = arith.constant 0 : i32
    %c0_i32_0 = arith.constant 0 : i32
    %c0_i32_1 = arith.constant 0 : i32
    return %c0_i32, %c0_i32_0 : i32, i32
  }
  func.func @transform_1(%arg0: i32) -> (i32, i32) {
    %c0_i32 = arith.constant 0 : i32
    %c0_i32_0 = arith.constant 0 : i32
    return %arg0, %c0_i32 : i32, i32
  }
  func.func @transform_2(%arg0: i32) -> (i32, i32) {
    %c0_i32 = arith.constant 0 : i32
    %c0_i32_0 = arith.constant 0 : i32
    return %arg0, %c0_i32 : i32, i32
  }
  func.func @transform_3(%arg0: i32) -> (i32, i32, i32) {
    %c0_i32 = arith.constant 0 : i32
    %c0_i32_0 = arith.constant 0 : i32
    %c0_i32_1 = arith.constant 0 : i32
    return %arg0, %c0_i32, %c0_i32_0 : i32, i32, i32
  }
}

module attributes {stable_mosaic.version = 14 : i64} {
  func.func @_s2_body(%arg0: memref<100000x128xf32, #tpu.memory_space<any>>, %arg1: memref<128x128xf32, #tpu.memory_space<vmem>>, %arg2: memref<128x1xi32, #tpu.memory_space<vmem>>, %arg3: memref<1x128xi32, #tpu.memory_space<vmem>>, %arg4: memref<1280x128xf32, #tpu.memory_space<vmem>>, %arg5: memref<10x10000xf32, #tpu.memory_space<vmem>>, %arg6: memref<1x1xf32, #tpu.memory_space<smem>>, %arg7: memref<100000x128xf32, #tpu.memory_space<any>>, %arg8: memref<!tpu.dma_semaphore, #tpu.memory_space<semaphore_mem>>) attributes {dimension_semantics = [], scalar_prefetch = 0 : i64, scratch_operands = 1 : i64, tpu.core_type = #tpu.core_type<tc>} {
    %get3A = arith.constant 0 : index
    %get3A_0 = arith.constant 0 : index
    %get3A_1 = vector.load %arg1[%get3A, %get3A_0] : memref<128x128xf32, #tpu.memory_space<vmem>>, vector<128x128xf32>
    %mul3A = arith.mulf %get3A_1, %get3A_1 : vector<128x128xf32>
    %reduce_sum3A = arith.constant dense<0.000000e+00> : vector<128xf32>
    %reduce_sum3A_2 = vector.multi_reduction <add>, %mul3A, %reduce_sum3A [1] : vector<128x128xf32> to vector<128xf32>
    %broadcast_in_dim3A = vector.shape_cast %reduce_sum3A_2 : vector<128xf32> to vector<128x1xf32>
    %add3A = arith.constant 9.99999996E-13 : f32
    %add3A_3 = vector.broadcast %add3A : f32 to vector<128x1xf32>
    %add3A_4 = arith.addf %broadcast_in_dim3A, %add3A_3 : vector<128x1xf32>
    %sqrt3A = math.sqrt %add3A_4 : vector<128x1xf32>
    %div3A = vector.broadcast %sqrt3A : vector<128x1xf32> to vector<128x128xf32>
    %div3A_5 = arith.divf %get3A_1, %div3A : vector<128x128xf32>
    %get3A_6 = arith.constant 0 : index
    %get3A_7 = arith.constant 0 : index
    %get3A_8 = vector.load %arg4[%get3A_6, %get3A_7] : memref<1280x128xf32, #tpu.memory_space<vmem>>, vector<1280x128xf32>
    %iota3A = tpu.iota {dimensions = array<i32: 1>} : vector<128x128xi32>
    %iota3A_9 = tpu.iota {dimensions = array<i32: 0>} : vector<128x128xi32>
    %eq3A = arith.cmpi eq, %iota3A, %iota3A_9 : vector<128x128xi32>
    %slice3A = vector.extract_strided_slice %get3A_8 {offsets = [0, 0], sizes = [128, 128], strides = [1, 1]} : vector<1280x128xf32> to vector<128x128xf32>
    %mul3A_10 = arith.mulf %slice3A, %slice3A : vector<128x128xf32>
    %reduce_sum3A_11 = arith.constant dense<0.000000e+00> : vector<128xf32>
    %reduce_sum3A_12 = vector.multi_reduction <add>, %mul3A_10, %reduce_sum3A_11 [1] : vector<128x128xf32> to vector<128xf32>
    %broadcast_in_dim3A_13 = vector.shape_cast %reduce_sum3A_12 : vector<128xf32> to vector<128x1xf32>
    %add3A_14 = arith.constant 9.99999996E-13 : f32
    %add3A_15 = vector.broadcast %add3A_14 : f32 to vector<128x1xf32>
    %add3A_16 = arith.addf %broadcast_in_dim3A_13, %add3A_15 : vector<128x1xf32>
    %sqrt3A_17 = math.sqrt %add3A_16 : vector<128x1xf32>
    %div3A_18 = vector.broadcast %sqrt3A_17 : vector<128x1xf32> to vector<128x128xf32>
    %div3A_19 = arith.divf %slice3A, %div3A_18 : vector<128x128xf32>
    %dot_general3A = arith.constant dense<0.000000e+00> : vector<128x128xf32>
    %dot_general3A_20 = tpu.matmul %div3A_5, %div3A_19, %dot_general3A {dimension_numbers = #tpu.dot_dimension_numbers<[1], [1], [0], [0], [0, 0, 1, 0], [], []>, transpose_lhs_hint = false} : vector<128x128xf32>, vector<128x128xf32>, vector<128x128xf32> -> vector<128x128xf32>
    %jit3A = arith.constant 0.000000e+00 : f32
    %broadcast_in_dim3A_21 = vector.broadcast %jit3A : f32 to vector<128x128xf32>
    %select_n3A = arith.select %eq3A, %dot_general3A_20, %broadcast_in_dim3A_21 : vector<128x128xi1>, vector<128x128xf32>
    %reduce_sum3A_22 = arith.constant dense<0.000000e+00> : vector<128xf32>
    %reduce_sum3A_23 = vector.multi_reduction <add>, %select_n3A, %reduce_sum3A_22 [1] : vector<128x128xf32> to vector<128xf32>
    %broadcast_in_dim3A_24 = vector.shape_cast %reduce_sum3A_23 : vector<128xf32> to vector<128x1xf32>
    %slice3A_25 = vector.extract_strided_slice %get3A_8 {offsets = [128, 0], sizes = [128, 128], strides = [1, 1]} : vector<1280x128xf32> to vector<128x128xf32>
    %mul3A_26 = arith.mulf %slice3A_25, %slice3A_25 : vector<128x128xf32>
    %reduce_sum3A_27 = arith.constant dense<0.000000e+00> : vector<128xf32>
    %reduce_sum3A_28 = vector.multi_reduction <add>, %mul3A_26, %reduce_sum3A_27 [1] : vector<128x128xf32> to vector<128xf32>
    %broadcast_in_dim3A_29 = vector.shape_cast %reduce_sum3A_28 : vector<128xf32> to vector<128x1xf32>
    %add3A_30 = arith.constant 9.99999996E-13 : f32
    %add3A_31 = vector.broadcast %add3A_30 : f32 to vector<128x1xf32>
    %add3A_32 = arith.addf %broadcast_in_dim3A_29, %add3A_31 : vector<128x1xf32>
    %sqrt3A_33 = math.sqrt %add3A_32 : vector<128x1xf32>
    %div3A_34 = vector.broadcast %sqrt3A_33 : vector<128x1xf32> to vector<128x128xf32>
    %div3A_35 = arith.divf %slice3A_25, %div3A_34 : vector<128x128xf32>
    %dot_general3A_36 = arith.constant dense<0.000000e+00> : vector<128x128xf32>
    %dot_general3A_37 = tpu.matmul %div3A_5, %div3A_35, %dot_general3A_36 {dimension_numbers = #tpu.dot_dimension_numbers<[1], [1], [0], [0], [0, 0, 1, 0], [], []>, transpose_lhs_hint = false} : vector<128x128xf32>, vector<128x128xf32>, vector<128x128xf32> -> vector<128x128xf32>
    %jit3A_38 = arith.constant 0.000000e+00 : f32
    %broadcast_in_dim3A_39 = vector.broadcast %jit3A_38 : f32 to vector<128x128xf32>
    %select_n3A_40 = arith.select %eq3A, %dot_general3A_37, %broadcast_in_dim3A_39 : vector<128x128xi1>, vector<128x128xf32>
    %reduce_sum3A_41 = arith.constant dense<0.000000e+00> : vector<128xf32>
    %reduce_sum3A_42 = vector.multi_reduction <add>, %select_n3A_40, %reduce_sum3A_41 [1] : vector<128x128xf32> to vector<128xf32>
    %broadcast_in_dim3A_43 = vector.shape_cast %reduce_sum3A_42 : vector<128xf32> to vector<128x1xf32>
    %slice3A_44 = vector.extract_strided_slice %get3A_8 {offsets = [256, 0], sizes = [128, 128], strides = [1, 1]} : vector<1280x128xf32> to vector<128x128xf32>
    %mul3A_45 = arith.mulf %slice3A_44, %slice3A_44 : vector<128x128xf32>
    %reduce_sum3A_46 = arith.constant dense<0.000000e+00> : vector<128xf32>
    %reduce_sum3A_47 = vector.multi_reduction <add>, %mul3A_45, %reduce_sum3A_46 [1] : vector<128x128xf32> to vector<128xf32>
    %broadcast_in_dim3A_48 = vector.shape_cast %reduce_sum3A_47 : vector<128xf32> to vector<128x1xf32>
    %add3A_49 = arith.constant 9.99999996E-13 : f32
    %add3A_50 = vector.broadcast %add3A_49 : f32 to vector<128x1xf32>
    %add3A_51 = arith.addf %broadcast_in_dim3A_48, %add3A_50 : vector<128x1xf32>
    %sqrt3A_52 = math.sqrt %add3A_51 : vector<128x1xf32>
    %div3A_53 = vector.broadcast %sqrt3A_52 : vector<128x1xf32> to vector<128x128xf32>
    %div3A_54 = arith.divf %slice3A_44, %div3A_53 : vector<128x128xf32>
    %dot_general3A_55 = arith.constant dense<0.000000e+00> : vector<128x128xf32>
    %dot_general3A_56 = tpu.matmul %div3A_5, %div3A_54, %dot_general3A_55 {dimension_numbers = #tpu.dot_dimension_numbers<[1], [1], [0], [0], [0, 0, 1, 0], [], []>, transpose_lhs_hint = false} : vector<128x128xf32>, vector<128x128xf32>, vector<128x128xf32> -> vector<128x128xf32>
    %jit3A_57 = arith.constant 0.000000e+00 : f32
    %broadcast_in_dim3A_58 = vector.broadcast %jit3A_57 : f32 to vector<128x128xf32>
    %select_n3A_59 = arith.select %eq3A, %dot_general3A_56, %broadcast_in_dim3A_58 : vector<128x128xi1>, vector<128x128xf32>
    %reduce_sum3A_60 = arith.constant dense<0.000000e+00> : vector<128xf32>
    %reduce_sum3A_61 = vector.multi_reduction <add>, %select_n3A_59, %reduce_sum3A_60 [1] : vector<128x128xf32> to vector<128xf32>
    %broadcast_in_dim3A_62 = vector.shape_cast %reduce_sum3A_61 : vector<128xf32> to vector<128x1xf32>
    %slice3A_63 = vector.extract_strided_slice %get3A_8 {offsets = [384, 0], sizes = [128, 128], strides = [1, 1]} : vector<1280x128xf32> to vector<128x128xf32>
    %mul3A_64 = arith.mulf %slice3A_63, %slice3A_63 : vector<128x128xf32>
    %reduce_sum3A_65 = arith.constant dense<0.000000e+00> : vector<128xf32>
    %reduce_sum3A_66 = vector.multi_reduction <add>, %mul3A_64, %reduce_sum3A_65 [1] : vector<128x128xf32> to vector<128xf32>
    %broadcast_in_dim3A_67 = vector.shape_cast %reduce_sum3A_66 : vector<128xf32> to vector<128x1xf32>
    %add3A_68 = arith.constant 9.99999996E-13 : f32
    %add3A_69 = vector.broadcast %add3A_68 : f32 to vector<128x1xf32>
    %add3A_70 = arith.addf %broadcast_in_dim3A_67, %add3A_69 : vector<128x1xf32>
    %sqrt3A_71 = math.sqrt %add3A_70 : vector<128x1xf32>
    %div3A_72 = vector.broadcast %sqrt3A_71 : vector<128x1xf32> to vector<128x128xf32>
    %div3A_73 = arith.divf %slice3A_63, %div3A_72 : vector<128x128xf32>
    %dot_general3A_74 = arith.constant dense<0.000000e+00> : vector<128x128xf32>
    %dot_general3A_75 = tpu.matmul %div3A_5, %div3A_73, %dot_general3A_74 {dimension_numbers = #tpu.dot_dimension_numbers<[1], [1], [0], [0], [0, 0, 1, 0], [], []>, transpose_lhs_hint = false} : vector<128x128xf32>, vector<128x128xf32>, vector<128x128xf32> -> vector<128x128xf32>
    %jit3A_76 = arith.constant 0.000000e+00 : f32
    %broadcast_in_dim3A_77 = vector.broadcast %jit3A_76 : f32 to vector<128x128xf32>
    %select_n3A_78 = arith.select %eq3A, %dot_general3A_75, %broadcast_in_dim3A_77 : vector<128x128xi1>, vector<128x128xf32>
    %reduce_sum3A_79 = arith.constant dense<0.000000e+00> : vector<128xf32>
    %reduce_sum3A_80 = vector.multi_reduction <add>, %select_n3A_78, %reduce_sum3A_79 [1] : vector<128x128xf32> to vector<128xf32>
    %broadcast_in_dim3A_81 = vector.shape_cast %reduce_sum3A_80 : vector<128xf32> to vector<128x1xf32>
    %slice3A_82 = vector.extract_strided_slice %get3A_8 {offsets = [512, 0], sizes = [128, 128], strides = [1, 1]} : vector<1280x128xf32> to vector<128x128xf32>
    %mul3A_83 = arith.mulf %slice3A_82, %slice3A_82 : vector<128x128xf32>
    %reduce_sum3A_84 = arith.constant dense<0.000000e+00> : vector<128xf32>
    %reduce_sum3A_85 = vector.multi_reduction <add>, %mul3A_83, %reduce_sum3A_84 [1] : vector<128x128xf32> to vector<128xf32>
    %broadcast_in_dim3A_86 = vector.shape_cast %reduce_sum3A_85 : vector<128xf32> to vector<128x1xf32>
    %add3A_87 = arith.constant 9.99999996E-13 : f32
    %add3A_88 = vector.broadcast %add3A_87 : f32 to vector<128x1xf32>
    %add3A_89 = arith.addf %broadcast_in_dim3A_86, %add3A_88 : vector<128x1xf32>
    %sqrt3A_90 = math.sqrt %add3A_89 : vector<128x1xf32>
    %div3A_91 = vector.broadcast %sqrt3A_90 : vector<128x1xf32> to vector<128x128xf32>
    %div3A_92 = arith.divf %slice3A_82, %div3A_91 : vector<128x128xf32>
    %dot_general3A_93 = arith.constant dense<0.000000e+00> : vector<128x128xf32>
    %dot_general3A_94 = tpu.matmul %div3A_5, %div3A_92, %dot_general3A_93 {dimension_numbers = #tpu.dot_dimension_numbers<[1], [1], [0], [0], [0, 0, 1, 0], [], []>, transpose_lhs_hint = false} : vector<128x128xf32>, vector<128x128xf32>, vector<128x128xf32> -> vector<128x128xf32>
    %jit3A_95 = arith.constant 0.000000e+00 : f32
    %broadcast_in_dim3A_96 = vector.broadcast %jit3A_95 : f32 to vector<128x128xf32>
    %select_n3A_97 = arith.select %eq3A, %dot_general3A_94, %broadcast_in_dim3A_96 : vector<128x128xi1>, vector<128x128xf32>
    %reduce_sum3A_98 = arith.constant dense<0.000000e+00> : vector<128xf32>
    %reduce_sum3A_99 = vector.multi_reduction <add>, %select_n3A_97, %reduce_sum3A_98 [1] : vector<128x128xf32> to vector<128xf32>
    %broadcast_in_dim3A_100 = vector.shape_cast %reduce_sum3A_99 : vector<128xf32> to vector<128x1xf32>
    %slice3A_101 = vector.extract_strided_slice %get3A_8 {offsets = [640, 0], sizes = [128, 128], strides = [1, 1]} : vector<1280x128xf32> to vector<128x128xf32>
    %mul3A_102 = arith.mulf %slice3A_101, %slice3A_101 : vector<128x128xf32>
    %reduce_sum3A_103 = arith.constant dense<0.000000e+00> : vector<128xf32>
    %reduce_sum3A_104 = vector.multi_reduction <add>, %mul3A_102, %reduce_sum3A_103 [1] : vector<128x128xf32> to vector<128xf32>
    %broadcast_in_dim3A_105 = vector.shape_cast %reduce_sum3A_104 : vector<128xf32> to vector<128x1xf32>
    %add3A_106 = arith.constant 9.99999996E-13 : f32
    %add3A_107 = vector.broadcast %add3A_106 : f32 to vector<128x1xf32>
    %add3A_108 = arith.addf %broadcast_in_dim3A_105, %add3A_107 : vector<128x1xf32>
    %sqrt3A_109 = math.sqrt %add3A_108 : vector<128x1xf32>
    %div3A_110 = vector.broadcast %sqrt3A_109 : vector<128x1xf32> to vector<128x128xf32>
    %div3A_111 = arith.divf %slice3A_101, %div3A_110 : vector<128x128xf32>
    %dot_general3A_112 = arith.constant dense<0.000000e+00> : vector<128x128xf32>
    %dot_general3A_113 = tpu.matmul %div3A_5, %div3A_111, %dot_general3A_112 {dimension_numbers = #tpu.dot_dimension_numbers<[1], [1], [0], [0], [0, 0, 1, 0], [], []>, transpose_lhs_hint = false} : vector<128x128xf32>, vector<128x128xf32>, vector<128x128xf32> -> vector<128x128xf32>
    %jit3A_114 = arith.constant 0.000000e+00 : f32
    %broadcast_in_dim3A_115 = vector.broadcast %jit3A_114 : f32 to vector<128x128xf32>
    %select_n3A_116 = arith.select %eq3A, %dot_general3A_113, %broadcast_in_dim3A_115 : vector<128x128xi1>, vector<128x128xf32>
    %reduce_sum3A_117 = arith.constant dense<0.000000e+00> : vector<128xf32>
    %reduce_sum3A_118 = vector.multi_reduction <add>, %select_n3A_116, %reduce_sum3A_117 [1] : vector<128x128xf32> to vector<128xf32>
    %broadcast_in_dim3A_119 = vector.shape_cast %reduce_sum3A_118 : vector<128xf32> to vector<128x1xf32>
    %slice3A_120 = vector.extract_strided_slice %get3A_8 {offsets = [768, 0], sizes = [128, 128], strides = [1, 1]} : vector<1280x128xf32> to vector<128x128xf32>
    %mul3A_121 = arith.mulf %slice3A_120, %slice3A_120 : vector<128x128xf32>
    %reduce_sum3A_122 = arith.constant dense<0.000000e+00> : vector<128xf32>
    %reduce_sum3A_123 = vector.multi_reduction <add>, %mul3A_121, %reduce_sum3A_122 [1] : vector<128x128xf32> to vector<128xf32>
    %broadcast_in_dim3A_124 = vector.shape_cast %reduce_sum3A_123 : vector<128xf32> to vector<128x1xf32>
    %add3A_125 = arith.constant 9.99999996E-13 : f32
    %add3A_126 = vector.broadcast %add3A_125 : f32 to vector<128x1xf32>
    %add3A_127 = arith.addf %broadcast_in_dim3A_124, %add3A_126 : vector<128x1xf32>
    %sqrt3A_128 = math.sqrt %add3A_127 : vector<128x1xf32>
    %div3A_129 = vector.broadcast %sqrt3A_128 : vector<128x1xf32> to vector<128x128xf32>
    %div3A_130 = arith.divf %slice3A_120, %div3A_129 : vector<128x128xf32>
    %dot_general3A_131 = arith.constant dense<0.000000e+00> : vector<128x128xf32>
    %dot_general3A_132 = tpu.matmul %div3A_5, %div3A_130, %dot_general3A_131 {dimension_numbers = #tpu.dot_dimension_numbers<[1], [1], [0], [0], [0, 0, 1, 0], [], []>, transpose_lhs_hint = false} : vector<128x128xf32>, vector<128x128xf32>, vector<128x128xf32> -> vector<128x128xf32>
    %jit3A_133 = arith.constant 0.000000e+00 : f32
    %broadcast_in_dim3A_134 = vector.broadcast %jit3A_133 : f32 to vector<128x128xf32>
    %select_n3A_135 = arith.select %eq3A, %dot_general3A_132, %broadcast_in_dim3A_134 : vector<128x128xi1>, vector<128x128xf32>
    %reduce_sum3A_136 = arith.constant dense<0.000000e+00> : vector<128xf32>
    %reduce_sum3A_137 = vector.multi_reduction <add>, %select_n3A_135, %reduce_sum3A_136 [1] : vector<128x128xf32> to vector<128xf32>
    %broadcast_in_dim3A_138 = vector.shape_cast %reduce_sum3A_137 : vector<128xf32> to vector<128x1xf32>
    %slice3A_139 = vector.extract_strided_slice %get3A_8 {offsets = [896, 0], sizes = [128, 128], strides = [1, 1]} : vector<1280x128xf32> to vector<128x128xf32>
    %mul3A_140 = arith.mulf %slice3A_139, %slice3A_139 : vector<128x128xf32>
    %reduce_sum3A_141 = arith.constant dense<0.000000e+00> : vector<128xf32>
    %reduce_sum3A_142 = vector.multi_reduction <add>, %mul3A_140, %reduce_sum3A_141 [1] : vector<128x128xf32> to vector<128xf32>
    %broadcast_in_dim3A_143 = vector.shape_cast %reduce_sum3A_142 : vector<128xf32> to vector<128x1xf32>
    %add3A_144 = arith.constant 9.99999996E-13 : f32
    %add3A_145 = vector.broadcast %add3A_144 : f32 to vector<128x1xf32>
    %add3A_146 = arith.addf %broadcast_in_dim3A_143, %add3A_145 : vector<128x1xf32>
    %sqrt3A_147 = math.sqrt %add3A_146 : vector<128x1xf32>
    %div3A_148 = vector.broadcast %sqrt3A_147 : vector<128x1xf32> to vector<128x128xf32>
    %div3A_149 = arith.divf %slice3A_139, %div3A_148 : vector<128x128xf32>
    %dot_general3A_150 = arith.constant dense<0.000000e+00> : vector<128x128xf32>
    %dot_general3A_151 = tpu.matmul %div3A_5, %div3A_149, %dot_general3A_150 {dimension_numbers = #tpu.dot_dimension_numbers<[1], [1], [0], [0], [0, 0, 1, 0], [], []>, transpose_lhs_hint = false} : vector<128x128xf32>, vector<128x128xf32>, vector<128x128xf32> -> vector<128x128xf32>
    %jit3A_152 = arith.constant 0.000000e+00 : f32
    %broadcast_in_dim3A_153 = vector.broadcast %jit3A_152 : f32 to vector<128x128xf32>
    %select_n3A_154 = arith.select %eq3A, %dot_general3A_151, %broadcast_in_dim3A_153 : vector<128x128xi1>, vector<128x128xf32>
    %reduce_sum3A_155 = arith.constant dense<0.000000e+00> : vector<128xf32>
    %reduce_sum3A_156 = vector.multi_reduction <add>, %select_n3A_154, %reduce_sum3A_155 [1] : vector<128x128xf32> to vector<128xf32>
    %broadcast_in_dim3A_157 = vector.shape_cast %reduce_sum3A_156 : vector<128xf32> to vector<128x1xf32>
    %slice3A_158 = vector.extract_strided_slice %get3A_8 {offsets = [1024, 0], sizes = [128, 128], strides = [1, 1]} : vector<1280x128xf32> to vector<128x128xf32>
    %mul3A_159 = arith.mulf %slice3A_158, %slice3A_158 : vector<128x128xf32>
    %reduce_sum3A_160 = arith.constant dense<0.000000e+00> : vector<128xf32>
    %reduce_sum3A_161 = vector.multi_reduction <add>, %mul3A_159, %reduce_sum3A_160 [1] : vector<128x128xf32> to vector<128xf32>
    %broadcast_in_dim3A_162 = vector.shape_cast %reduce_sum3A_161 : vector<128xf32> to vector<128x1xf32>
    %add3A_163 = arith.constant 9.99999996E-13 : f32
    %add3A_164 = vector.broadcast %add3A_163 : f32 to vector<128x1xf32>
    %add3A_165 = arith.addf %broadcast_in_dim3A_162, %add3A_164 : vector<128x1xf32>
    %sqrt3A_166 = math.sqrt %add3A_165 : vector<128x1xf32>
    %div3A_167 = vector.broadcast %sqrt3A_166 : vector<128x1xf32> to vector<128x128xf32>
    %div3A_168 = arith.divf %slice3A_158, %div3A_167 : vector<128x128xf32>
    %dot_general3A_169 = arith.constant dense<0.000000e+00> : vector<128x128xf32>
    %dot_general3A_170 = tpu.matmul %div3A_5, %div3A_168, %dot_general3A_169 {dimension_numbers = #tpu.dot_dimension_numbers<[1], [1], [0], [0], [0, 0, 1, 0], [], []>, transpose_lhs_hint = false} : vector<128x128xf32>, vector<128x128xf32>, vector<128x128xf32> -> vector<128x128xf32>
    %jit3A_171 = arith.constant 0.000000e+00 : f32
    %broadcast_in_dim3A_172 = vector.broadcast %jit3A_171 : f32 to vector<128x128xf32>
    %select_n3A_173 = arith.select %eq3A, %dot_general3A_170, %broadcast_in_dim3A_172 : vector<128x128xi1>, vector<128x128xf32>
    %reduce_sum3A_174 = arith.constant dense<0.000000e+00> : vector<128xf32>
    %reduce_sum3A_175 = vector.multi_reduction <add>, %select_n3A_173, %reduce_sum3A_174 [1] : vector<128x128xf32> to vector<128xf32>
    %broadcast_in_dim3A_176 = vector.shape_cast %reduce_sum3A_175 : vector<128xf32> to vector<128x1xf32>
    %slice3A_177 = vector.extract_strided_slice %get3A_8 {offsets = [1152, 0], sizes = [128, 128], strides = [1, 1]} : vector<1280x128xf32> to vector<128x128xf32>
    %mul3A_178 = arith.mulf %slice3A_177, %slice3A_177 : vector<128x128xf32>
    %reduce_sum3A_179 = arith.constant dense<0.000000e+00> : vector<128xf32>
    %reduce_sum3A_180 = vector.multi_reduction <add>, %mul3A_178, %reduce_sum3A_179 [1] : vector<128x128xf32> to vector<128xf32>
    %broadcast_in_dim3A_181 = vector.shape_cast %reduce_sum3A_180 : vector<128xf32> to vector<128x1xf32>
    %add3A_182 = arith.constant 9.99999996E-13 : f32
    %add3A_183 = vector.broadcast %add3A_182 : f32 to vector<128x1xf32>
    %add3A_184 = arith.addf %broadcast_in_dim3A_181, %add3A_183 : vector<128x1xf32>
    %sqrt3A_185 = math.sqrt %add3A_184 : vector<128x1xf32>
    %div3A_186 = vector.broadcast %sqrt3A_185 : vector<128x1xf32> to vector<128x128xf32>
    %div3A_187 = arith.divf %slice3A_177, %div3A_186 : vector<128x128xf32>
    %dot_general3A_188 = arith.constant dense<0.000000e+00> : vector<128x128xf32>
    %dot_general3A_189 = tpu.matmul %div3A_5, %div3A_187, %dot_general3A_188 {dimension_numbers = #tpu.dot_dimension_numbers<[1], [1], [0], [0], [0, 0, 1, 0], [], []>, transpose_lhs_hint = false} : vector<128x128xf32>, vector<128x128xf32>, vector<128x128xf32> -> vector<128x128xf32>
    %jit3A_190 = arith.constant 0.000000e+00 : f32
    %broadcast_in_dim3A_191 = vector.broadcast %jit3A_190 : f32 to vector<128x128xf32>
    %select_n3A_192 = arith.select %eq3A, %dot_general3A_189, %broadcast_in_dim3A_191 : vector<128x128xi1>, vector<128x128xf32>
    %reduce_sum3A_193 = arith.constant dense<0.000000e+00> : vector<128xf32>
    %reduce_sum3A_194 = vector.multi_reduction <add>, %select_n3A_192, %reduce_sum3A_193 [1] : vector<128x128xf32> to vector<128xf32>
    %broadcast_in_dim3A_195 = vector.shape_cast %reduce_sum3A_194 : vector<128xf32> to vector<128x1xf32>
    %concatenate3A = tpu.concatenate %broadcast_in_dim3A_24, %broadcast_in_dim3A_43, %broadcast_in_dim3A_62, %broadcast_in_dim3A_81, %broadcast_in_dim3A_100, %broadcast_in_dim3A_119, %broadcast_in_dim3A_138, %broadcast_in_dim3A_157, %broadcast_in_dim3A_176, %broadcast_in_dim3A_195 in 1 : vector<128x1xf32>, vector<128x1xf32>, vector<128x1xf32>, vector<128x1xf32>, vector<128x1xf32>, vector<128x1xf32>, vector<128x1xf32>, vector<128x1xf32>, vector<128x1xf32>, vector<128x1xf32> -> vector<128x10xf32>
    %sub3A = arith.constant 1.000000e-01 : f32
    %sub3A_196 = vector.broadcast %sub3A : f32 to vector<128x10xf32>
    %sub3A_197 = arith.subf %concatenate3A, %sub3A_196 : vector<128x10xf32>
    %mul3A_198 = arith.constant -3.200000e+01 : f32
    %mul3A_199 = vector.broadcast %mul3A_198 : f32 to vector<128x10xf32>
    %mul3A_200 = arith.mulf %mul3A_199, %sub3A_197 : vector<128x10xf32>
    %exp3A = math.exp %mul3A_200 : vector<128x10xf32>
    %add3A_201 = arith.constant 1.000000e-01 : f32
    %add3A_202 = vector.broadcast %add3A_201 : f32 to vector<128x10xf32>
    %add3A_203 = arith.addf %concatenate3A, %add3A_202 : vector<128x10xf32>
    %mul3A_204 = arith.constant 3.200000e+01 : f32
    %mul3A_205 = vector.broadcast %mul3A_204 : f32 to vector<128x10xf32>
    %mul3A_206 = arith.mulf %mul3A_205, %add3A_203 : vector<128x10xf32>
    %exp3A_207 = math.exp %mul3A_206 : vector<128x10xf32>
    %slice3A_208 = vector.extract_strided_slice %exp3A {offsets = [0, 0], sizes = [128, 1], strides = [1, 1]} : vector<128x10xf32> to vector<128x1xf32>
    %slice3A_209 = vector.extract_strided_slice %exp3A {offsets = [0, 0], sizes = [128, 1], strides = [1, 1]} : vector<128x10xf32> to vector<128x1xf32>
    %slice3A_210 = vector.extract_strided_slice %exp3A {offsets = [0, 1], sizes = [128, 1], strides = [1, 1]} : vector<128x10xf32> to vector<128x1xf32>
    %max3A = arith.maximumf %slice3A_208, %slice3A_210 : vector<128x1xf32>
    %slice3A_211 = vector.extract_strided_slice %exp3A {offsets = [0, 1], sizes = [128, 1], strides = [1, 1]} : vector<128x10xf32> to vector<128x1xf32>
    %add3A_212 = arith.addf %slice3A_209, %slice3A_211 : vector<128x1xf32>
    %slice3A_213 = vector.extract_strided_slice %exp3A {offsets = [0, 2], sizes = [128, 1], strides = [1, 1]} : vector<128x10xf32> to vector<128x1xf32>
    %max3A_214 = arith.maximumf %max3A, %slice3A_213 : vector<128x1xf32>
    %slice3A_215 = vector.extract_strided_slice %exp3A {offsets = [0, 2], sizes = [128, 1], strides = [1, 1]} : vector<128x10xf32> to vector<128x1xf32>
    %add3A_216 = arith.addf %add3A_212, %slice3A_215 : vector<128x1xf32>
    %slice3A_217 = vector.extract_strided_slice %exp3A {offsets = [0, 3], sizes = [128, 1], strides = [1, 1]} : vector<128x10xf32> to vector<128x1xf32>
    %max3A_218 = arith.maximumf %max3A_214, %slice3A_217 : vector<128x1xf32>
    %slice3A_219 = vector.extract_strided_slice %exp3A {offsets = [0, 3], sizes = [128, 1], strides = [1, 1]} : vector<128x10xf32> to vector<128x1xf32>
    %add3A_220 = arith.addf %add3A_216, %slice3A_219 : vector<128x1xf32>
    %slice3A_221 = vector.extract_strided_slice %exp3A {offsets = [0, 4], sizes = [128, 1], strides = [1, 1]} : vector<128x10xf32> to vector<128x1xf32>
    %max3A_222 = arith.maximumf %max3A_218, %slice3A_221 : vector<128x1xf32>
    %slice3A_223 = vector.extract_strided_slice %exp3A {offsets = [0, 4], sizes = [128, 1], strides = [1, 1]} : vector<128x10xf32> to vector<128x1xf32>
    %add3A_224 = arith.addf %add3A_220, %slice3A_223 : vector<128x1xf32>
    %slice3A_225 = vector.extract_strided_slice %exp3A {offsets = [0, 5], sizes = [128, 1], strides = [1, 1]} : vector<128x10xf32> to vector<128x1xf32>
    %max3A_226 = arith.maximumf %max3A_222, %slice3A_225 : vector<128x1xf32>
    %slice3A_227 = vector.extract_strided_slice %exp3A {offsets = [0, 5], sizes = [128, 1], strides = [1, 1]} : vector<128x10xf32> to vector<128x1xf32>
    %add3A_228 = arith.addf %add3A_224, %slice3A_227 : vector<128x1xf32>
    %slice3A_229 = vector.extract_strided_slice %exp3A {offsets = [0, 6], sizes = [128, 1], strides = [1, 1]} : vector<128x10xf32> to vector<128x1xf32>
    %max3A_230 = arith.maximumf %max3A_226, %slice3A_229 : vector<128x1xf32>
    %slice3A_231 = vector.extract_strided_slice %exp3A {offsets = [0, 6], sizes = [128, 1], strides = [1, 1]} : vector<128x10xf32> to vector<128x1xf32>
    %add3A_232 = arith.addf %add3A_228, %slice3A_231 : vector<128x1xf32>
    %slice3A_233 = vector.extract_strided_slice %exp3A {offsets = [0, 7], sizes = [128, 1], strides = [1, 1]} : vector<128x10xf32> to vector<128x1xf32>
    %max3A_234 = arith.maximumf %max3A_230, %slice3A_233 : vector<128x1xf32>
    %slice3A_235 = vector.extract_strided_slice %exp3A {offsets = [0, 7], sizes = [128, 1], strides = [1, 1]} : vector<128x10xf32> to vector<128x1xf32>
    %add3A_236 = arith.addf %add3A_232, %slice3A_235 : vector<128x1xf32>
    %slice3A_237 = vector.extract_strided_slice %exp3A {offsets = [0, 8], sizes = [128, 1], strides = [1, 1]} : vector<128x10xf32> to vector<128x1xf32>
    %max3A_238 = arith.maximumf %max3A_234, %slice3A_237 : vector<128x1xf32>
    %slice3A_239 = vector.extract_strided_slice %exp3A {offsets = [0, 8], sizes = [128, 1], strides = [1, 1]} : vector<128x10xf32> to vector<128x1xf32>
    %add3A_240 = arith.addf %add3A_236, %slice3A_239 : vector<128x1xf32>
    %slice3A_241 = vector.extract_strided_slice %exp3A {offsets = [0, 9], sizes = [128, 1], strides = [1, 1]} : vector<128x10xf32> to vector<128x1xf32>
    %max3A_242 = arith.maximumf %max3A_238, %slice3A_241 : vector<128x1xf32>
    %slice3A_243 = vector.extract_strided_slice %exp3A {offsets = [0, 9], sizes = [128, 1], strides = [1, 1]} : vector<128x10xf32> to vector<128x1xf32>
    %add3A_244 = arith.addf %add3A_240, %slice3A_243 : vector<128x1xf32>
    %concatenate3A_245 = tpu.concatenate %slice3A_208, %max3A, %max3A_214, %max3A_218, %max3A_222, %max3A_226, %max3A_230, %max3A_234, %max3A_238, %max3A_242 in 1 : vector<128x1xf32>, vector<128x1xf32>, vector<128x1xf32>, vector<128x1xf32>, vector<128x1xf32>, vector<128x1xf32>, vector<128x1xf32>, vector<128x1xf32>, vector<128x1xf32>, vector<128x1xf32> -> vector<128x10xf32>
    %concatenate3A_246 = tpu.concatenate %slice3A_209, %add3A_212, %add3A_216, %add3A_220, %add3A_224, %add3A_228, %add3A_232, %add3A_236, %add3A_240, %add3A_244 in 1 : vector<128x1xf32>, vector<128x1xf32>, vector<128x1xf32>, vector<128x1xf32>, vector<128x1xf32>, vector<128x1xf32>, vector<128x1xf32>, vector<128x1xf32>, vector<128x1xf32>, vector<128x1xf32> -> vector<128x10xf32>
    %iota3A_247 = tpu.iota {dimensions = array<i32: 1>} : vector<128x10xi32>
    %gt3A = arith.constant 9.900000e-01 : f32
    %gt3A_248 = vector.broadcast %gt3A : f32 to vector<128x10xf32>
    %gt3A_249 = arith.cmpf ogt, %concatenate3A_245, %gt3A_248 : vector<128x10xf32>
    %lt3A = arith.constant 1.010000e+00 : f32
    %lt3A_250 = vector.broadcast %lt3A : f32 to vector<128x10xf32>
    %lt3A_251 = arith.cmpf olt, %concatenate3A_245, %lt3A_250 : vector<128x10xf32>
    %and3A = arith.andi %gt3A_249, %lt3A_251 : vector<128x10xi1>
    %lt3A_252 = arith.constant 9 : i32
    %lt3A_253 = vector.broadcast %lt3A_252 : i32 to vector<128x10xi32>
    %lt3A_254 = arith.cmpi slt, %iota3A_247, %lt3A_253 : vector<128x10xi32>
    %and3A_255 = arith.andi %and3A, %lt3A_254 : vector<128x10xi1>
    %convert_element_type3A = arith.extui %and3A_255 : vector<128x10xi1> to vector<128x10xi32>
    %convert_element_type3A_256 = arith.sitofp %convert_element_type3A : vector<128x10xi32> to vector<128x10xf32>
    %get3A_257 = arith.constant 0 : index
    %get3A_258 = arith.constant 0 : index
    %get3A_259 = vector.load %arg2[%get3A_257, %get3A_258] : memref<128x1xi32, #tpu.memory_space<vmem>>, vector<128x1xi32>
    %get3A_260 = arith.constant 0 : index
    %get3A_261 = arith.constant 0 : index
    %get3A_262 = vector.load %arg3[%get3A_260, %get3A_261] : memref<1x128xi32, #tpu.memory_space<vmem>>, vector<1x128xi32>
    %eq3A_263 = vector.broadcast %get3A_259 : vector<128x1xi32> to vector<128x128xi32>
    %eq3A_264 = vector.broadcast %get3A_262 : vector<1x128xi32> to vector<128x128xi32>
    %eq3A_265 = arith.cmpi eq, %eq3A_263, %eq3A_264 : vector<128x128xi32>
    %convert_element_type3A_266 = arith.extui %eq3A_265 : vector<128x128xi1> to vector<128x128xi32>
    %convert_element_type3A_267 = arith.sitofp %convert_element_type3A_266 : vector<128x128xi32> to vector<128x128xf32>
    %iota3A_268 = tpu.iota {dimensions = array<i32: 1>} : vector<128x128xi32>
    %iota3A_269 = tpu.iota {dimensions = array<i32: 0>} : vector<128x128xi32>
    %lt3A_270 = arith.cmpi slt, %iota3A_268, %iota3A_269 : vector<128x128xi32>
    %jit3A_271 = arith.constant 0.000000e+00 : f32
    %broadcast_in_dim3A_272 = vector.broadcast %jit3A_271 : f32 to vector<128x128xf32>
    %select_n3A_273 = arith.select %lt3A_270, %convert_element_type3A_267, %broadcast_in_dim3A_272 : vector<128x128xi1>, vector<128x128xf32>
    %reduce_sum3A_274 = arith.constant dense<0.000000e+00> : vector<128xf32>
    %reduce_sum3A_275 = vector.multi_reduction <add>, %select_n3A_273, %reduce_sum3A_274 [1] : vector<128x128xf32> to vector<128xf32>
    %broadcast_in_dim3A_276 = vector.shape_cast %reduce_sum3A_275 : vector<128xf32> to vector<128x1xf32>
    %convert_element_type3A_277 = arith.sitofp %iota3A_247 : vector<128x10xi32> to vector<128x10xf32>
    %add3A_278 = arith.addf %convert_element_type3A_277, %convert_element_type3A_256 : vector<128x10xf32>
    %gt3A_279 = arith.cmpi sgt, %iota3A_268, %iota3A_269 : vector<128x128xi32>
    %jit3A_280 = arith.constant 0.000000e+00 : f32
    %broadcast_in_dim3A_281 = vector.broadcast %jit3A_280 : f32 to vector<128x128xf32>
    %select_n3A_282 = arith.select %gt3A_279, %convert_element_type3A_267, %broadcast_in_dim3A_281 : vector<128x128xi1>, vector<128x128xf32>
    %reduce_sum3A_283 = arith.constant dense<0.000000e+00> : vector<128xf32>
    %reduce_sum3A_284 = vector.multi_reduction <add>, %select_n3A_282, %reduce_sum3A_283 [0] : vector<128x128xf32> to vector<128xf32>
    %broadcast_in_dim3A_285 = vector.shape_cast %reduce_sum3A_284 : vector<128xf32> to vector<1x128xf32>
    %sub3A_286 = arith.constant 1.000000e+00 : f32
    %sub3A_287 = vector.broadcast %sub3A_286 : f32 to vector<128x1xf32>
    %sub3A_288 = arith.subf %broadcast_in_dim3A_276, %sub3A_287 : vector<128x1xf32>
    %eq3A_289 = vector.broadcast %broadcast_in_dim3A_285 : vector<1x128xf32> to vector<128x128xf32>
    %eq3A_290 = vector.broadcast %sub3A_288 : vector<128x1xf32> to vector<128x128xf32>
    %eq3A_291 = arith.cmpf oeq, %eq3A_289, %eq3A_290 : vector<128x128xf32>
    %jit3A_292 = arith.constant 0.000000e+00 : f32
    %broadcast_in_dim3A_293 = vector.broadcast %jit3A_292 : f32 to vector<128x128xf32>
    %select_n3A_294 = arith.select %eq3A_291, %convert_element_type3A_267, %broadcast_in_dim3A_293 : vector<128x128xi1>, vector<128x128xf32>
    %dot_general3A_295 = arith.constant dense<0.000000e+00> : vector<128x10xf32>
    %dot_general3A_296 = tpu.matmul %select_n3A_294, %add3A_278, %dot_general3A_295 {dimension_numbers = #tpu.dot_dimension_numbers<[1], [0], [0], [1], [0, 0, 1, 1], [], []>, transpose_lhs_hint = false} : vector<128x128xf32>, vector<128x10xf32>, vector<128x10xf32> -> vector<128x10xf32>
    %reduce_sum3A_297 = arith.constant dense<0.000000e+00> : vector<128xf32>
    %reduce_sum3A_298 = vector.multi_reduction <add>, %select_n3A_294, %reduce_sum3A_297 [1] : vector<128x128xf32> to vector<128xf32>
    %broadcast_in_dim3A_299 = vector.shape_cast %reduce_sum3A_298 : vector<128xf32> to vector<128x1xf32>
    %gt3A_300 = arith.constant 5.000000e-01 : f32
    %gt3A_301 = vector.broadcast %gt3A_300 : f32 to vector<128x1xf32>
    %gt3A_302 = arith.cmpf ogt, %broadcast_in_dim3A_299, %gt3A_301 : vector<128x1xf32>
    %broadcast_in_dim3A_303 = arith.constant 0.000000e+00 : f32
    %broadcast_in_dim3A_304 = vector.broadcast %broadcast_in_dim3A_303 : f32 to vector<128x10xf32>
    %eq3A_305 = arith.constant 0.000000e+00 : f32
    %eq3A_306 = vector.broadcast %eq3A_305 : f32 to vector<128x10xf32>
    %eq3A_307 = arith.cmpf oeq, %dot_general3A_296, %eq3A_306 : vector<128x10xf32>
    %slice3A_308 = vector.extract_strided_slice %add3A_278 {offsets = [0, 0], sizes = [128, 1], strides = [1, 1]} : vector<128x10xf32> to vector<128x1xf32>
    %jit3A_309 = arith.constant 0.000000e+00 : f32
    %broadcast_in_dim3A_310 = vector.shape_cast %slice3A_308 : vector<128x1xf32> to vector<128x1xf32>
    %broadcast_in_dim3A_311 = vector.broadcast %broadcast_in_dim3A_310 : vector<128x1xf32> to vector<128x10xf32>
    %broadcast_in_dim3A_312 = vector.broadcast %jit3A_309 : f32 to vector<128x10xf32>
    %select_n3A_313 = arith.select %eq3A_307, %broadcast_in_dim3A_311, %broadcast_in_dim3A_312 : vector<128x10xi1>, vector<128x10xf32>
    %add3A_314 = arith.addf %broadcast_in_dim3A_304, %select_n3A_313 : vector<128x10xf32>
    %eq3A_315 = arith.constant 1.000000e+00 : f32
    %eq3A_316 = vector.broadcast %eq3A_315 : f32 to vector<128x10xf32>
    %eq3A_317 = arith.cmpf oeq, %dot_general3A_296, %eq3A_316 : vector<128x10xf32>
    %slice3A_318 = vector.extract_strided_slice %add3A_278 {offsets = [0, 1], sizes = [128, 1], strides = [1, 1]} : vector<128x10xf32> to vector<128x1xf32>
    %jit3A_319 = arith.constant 0.000000e+00 : f32
    %broadcast_in_dim3A_320 = vector.shape_cast %slice3A_318 : vector<128x1xf32> to vector<128x1xf32>
    %broadcast_in_dim3A_321 = vector.broadcast %broadcast_in_dim3A_320 : vector<128x1xf32> to vector<128x10xf32>
    %broadcast_in_dim3A_322 = vector.broadcast %jit3A_319 : f32 to vector<128x10xf32>
    %select_n3A_323 = arith.select %eq3A_317, %broadcast_in_dim3A_321, %broadcast_in_dim3A_322 : vector<128x10xi1>, vector<128x10xf32>
    %add3A_324 = arith.addf %add3A_314, %select_n3A_323 : vector<128x10xf32>
    %eq3A_325 = arith.constant 2.000000e+00 : f32
    %eq3A_326 = vector.broadcast %eq3A_325 : f32 to vector<128x10xf32>
    %eq3A_327 = arith.cmpf oeq, %dot_general3A_296, %eq3A_326 : vector<128x10xf32>
    %slice3A_328 = vector.extract_strided_slice %add3A_278 {offsets = [0, 2], sizes = [128, 1], strides = [1, 1]} : vector<128x10xf32> to vector<128x1xf32>
    %jit3A_329 = arith.constant 0.000000e+00 : f32
    %broadcast_in_dim3A_330 = vector.shape_cast %slice3A_328 : vector<128x1xf32> to vector<128x1xf32>
    %broadcast_in_dim3A_331 = vector.broadcast %broadcast_in_dim3A_330 : vector<128x1xf32> to vector<128x10xf32>
    %broadcast_in_dim3A_332 = vector.broadcast %jit3A_329 : f32 to vector<128x10xf32>
    %select_n3A_333 = arith.select %eq3A_327, %broadcast_in_dim3A_331, %broadcast_in_dim3A_332 : vector<128x10xi1>, vector<128x10xf32>
    %add3A_334 = arith.addf %add3A_324, %select_n3A_333 : vector<128x10xf32>
    %eq3A_335 = arith.constant 3.000000e+00 : f32
    %eq3A_336 = vector.broadcast %eq3A_335 : f32 to vector<128x10xf32>
    %eq3A_337 = arith.cmpf oeq, %dot_general3A_296, %eq3A_336 : vector<128x10xf32>
    %slice3A_338 = vector.extract_strided_slice %add3A_278 {offsets = [0, 3], sizes = [128, 1], strides = [1, 1]} : vector<128x10xf32> to vector<128x1xf32>
    %jit3A_339 = arith.constant 0.000000e+00 : f32
    %broadcast_in_dim3A_340 = vector.shape_cast %slice3A_338 : vector<128x1xf32> to vector<128x1xf32>
    %broadcast_in_dim3A_341 = vector.broadcast %broadcast_in_dim3A_340 : vector<128x1xf32> to vector<128x10xf32>
    %broadcast_in_dim3A_342 = vector.broadcast %jit3A_339 : f32 to vector<128x10xf32>
    %select_n3A_343 = arith.select %eq3A_337, %broadcast_in_dim3A_341, %broadcast_in_dim3A_342 : vector<128x10xi1>, vector<128x10xf32>
    %add3A_344 = arith.addf %add3A_334, %select_n3A_343 : vector<128x10xf32>
    %eq3A_345 = arith.constant 4.000000e+00 : f32
    %eq3A_346 = vector.broadcast %eq3A_345 : f32 to vector<128x10xf32>
    %eq3A_347 = arith.cmpf oeq, %dot_general3A_296, %eq3A_346 : vector<128x10xf32>
    %slice3A_348 = vector.extract_strided_slice %add3A_278 {offsets = [0, 4], sizes = [128, 1], strides = [1, 1]} : vector<128x10xf32> to vector<128x1xf32>
    %jit3A_349 = arith.constant 0.000000e+00 : f32
    %broadcast_in_dim3A_350 = vector.shape_cast %slice3A_348 : vector<128x1xf32> to vector<128x1xf32>
    %broadcast_in_dim3A_351 = vector.broadcast %broadcast_in_dim3A_350 : vector<128x1xf32> to vector<128x10xf32>
    %broadcast_in_dim3A_352 = vector.broadcast %jit3A_349 : f32 to vector<128x10xf32>
    %select_n3A_353 = arith.select %eq3A_347, %broadcast_in_dim3A_351, %broadcast_in_dim3A_352 : vector<128x10xi1>, vector<128x10xf32>
    %add3A_354 = arith.addf %add3A_344, %select_n3A_353 : vector<128x10xf32>
    %eq3A_355 = arith.constant 5.000000e+00 : f32
    %eq3A_356 = vector.broadcast %eq3A_355 : f32 to vector<128x10xf32>
    %eq3A_357 = arith.cmpf oeq, %dot_general3A_296, %eq3A_356 : vector<128x10xf32>
    %slice3A_358 = vector.extract_strided_slice %add3A_278 {offsets = [0, 5], sizes = [128, 1], strides = [1, 1]} : vector<128x10xf32> to vector<128x1xf32>
    %jit3A_359 = arith.constant 0.000000e+00 : f32
    %broadcast_in_dim3A_360 = vector.shape_cast %slice3A_358 : vector<128x1xf32> to vector<128x1xf32>
    %broadcast_in_dim3A_361 = vector.broadcast %broadcast_in_dim3A_360 : vector<128x1xf32> to vector<128x10xf32>
    %broadcast_in_dim3A_362 = vector.broadcast %jit3A_359 : f32 to vector<128x10xf32>
    %select_n3A_363 = arith.select %eq3A_357, %broadcast_in_dim3A_361, %broadcast_in_dim3A_362 : vector<128x10xi1>, vector<128x10xf32>
    %add3A_364 = arith.addf %add3A_354, %select_n3A_363 : vector<128x10xf32>
    %eq3A_365 = arith.constant 6.000000e+00 : f32
    %eq3A_366 = vector.broadcast %eq3A_365 : f32 to vector<128x10xf32>
    %eq3A_367 = arith.cmpf oeq, %dot_general3A_296, %eq3A_366 : vector<128x10xf32>
    %slice3A_368 = vector.extract_strided_slice %add3A_278 {offsets = [0, 6], sizes = [128, 1], strides = [1, 1]} : vector<128x10xf32> to vector<128x1xf32>
    %jit3A_369 = arith.constant 0.000000e+00 : f32
    %broadcast_in_dim3A_370 = vector.shape_cast %slice3A_368 : vector<128x1xf32> to vector<128x1xf32>
    %broadcast_in_dim3A_371 = vector.broadcast %broadcast_in_dim3A_370 : vector<128x1xf32> to vector<128x10xf32>
    %broadcast_in_dim3A_372 = vector.broadcast %jit3A_369 : f32 to vector<128x10xf32>
    %select_n3A_373 = arith.select %eq3A_367, %broadcast_in_dim3A_371, %broadcast_in_dim3A_372 : vector<128x10xi1>, vector<128x10xf32>
    %add3A_374 = arith.addf %add3A_364, %select_n3A_373 : vector<128x10xf32>
    %eq3A_375 = arith.constant 7.000000e+00 : f32
    %eq3A_376 = vector.broadcast %eq3A_375 : f32 to vector<128x10xf32>
    %eq3A_377 = arith.cmpf oeq, %dot_general3A_296, %eq3A_376 : vector<128x10xf32>
    %slice3A_378 = vector.extract_strided_slice %add3A_278 {offsets = [0, 7], sizes = [128, 1], strides = [1, 1]} : vector<128x10xf32> to vector<128x1xf32>
    %jit3A_379 = arith.constant 0.000000e+00 : f32
    %broadcast_in_dim3A_380 = vector.shape_cast %slice3A_378 : vector<128x1xf32> to vector<128x1xf32>
    %broadcast_in_dim3A_381 = vector.broadcast %broadcast_in_dim3A_380 : vector<128x1xf32> to vector<128x10xf32>
    %broadcast_in_dim3A_382 = vector.broadcast %jit3A_379 : f32 to vector<128x10xf32>
    %select_n3A_383 = arith.select %eq3A_377, %broadcast_in_dim3A_381, %broadcast_in_dim3A_382 : vector<128x10xi1>, vector<128x10xf32>
    %add3A_384 = arith.addf %add3A_374, %select_n3A_383 : vector<128x10xf32>
    %eq3A_385 = arith.constant 8.000000e+00 : f32
    %eq3A_386 = vector.broadcast %eq3A_385 : f32 to vector<128x10xf32>
    %eq3A_387 = arith.cmpf oeq, %dot_general3A_296, %eq3A_386 : vector<128x10xf32>
    %slice3A_388 = vector.extract_strided_slice %add3A_278 {offsets = [0, 8], sizes = [128, 1], strides = [1, 1]} : vector<128x10xf32> to vector<128x1xf32>
    %jit3A_389 = arith.constant 0.000000e+00 : f32
    %broadcast_in_dim3A_390 = vector.shape_cast %slice3A_388 : vector<128x1xf32> to vector<128x1xf32>
    %broadcast_in_dim3A_391 = vector.broadcast %broadcast_in_dim3A_390 : vector<128x1xf32> to vector<128x10xf32>
    %broadcast_in_dim3A_392 = vector.broadcast %jit3A_389 : f32 to vector<128x10xf32>
    %select_n3A_393 = arith.select %eq3A_387, %broadcast_in_dim3A_391, %broadcast_in_dim3A_392 : vector<128x10xi1>, vector<128x10xf32>
    %add3A_394 = arith.addf %add3A_384, %select_n3A_393 : vector<128x10xf32>
    %eq3A_395 = arith.constant 9.000000e+00 : f32
    %eq3A_396 = vector.broadcast %eq3A_395 : f32 to vector<128x10xf32>
    %eq3A_397 = arith.cmpf oeq, %dot_general3A_296, %eq3A_396 : vector<128x10xf32>
    %slice3A_398 = vector.extract_strided_slice %add3A_278 {offsets = [0, 9], sizes = [128, 1], strides = [1, 1]} : vector<128x10xf32> to vector<128x1xf32>
    %jit3A_399 = arith.constant 0.000000e+00 : f32
    %broadcast_in_dim3A_400 = vector.shape_cast %slice3A_398 : vector<128x1xf32> to vector<128x1xf32>
    %broadcast_in_dim3A_401 = vector.broadcast %broadcast_in_dim3A_400 : vector<128x1xf32> to vector<128x10xf32>
    %broadcast_in_dim3A_402 = vector.broadcast %jit3A_399 : f32 to vector<128x10xf32>
    %select_n3A_403 = arith.select %eq3A_397, %broadcast_in_dim3A_401, %broadcast_in_dim3A_402 : vector<128x10xi1>, vector<128x10xf32>
    %add3A_404 = arith.addf %add3A_394, %select_n3A_403 : vector<128x10xf32>
    %broadcast_in_dim3A_405 = vector.shape_cast %gt3A_302 : vector<128x1xi1> to vector<128x1xi1>
    %broadcast_in_dim3A_406 = vector.broadcast %broadcast_in_dim3A_405 : vector<128x1xi1> to vector<128x10xi1>
    %select_n3A_407 = arith.select %broadcast_in_dim3A_406, %add3A_404, %add3A_278 : vector<128x10xi1>, vector<128x10xf32>
    %sub3A_408 = arith.constant 2.000000e+00 : f32
    %sub3A_409 = vector.broadcast %sub3A_408 : f32 to vector<128x1xf32>
    %sub3A_410 = arith.subf %broadcast_in_dim3A_276, %sub3A_409 : vector<128x1xf32>
    %eq3A_411 = vector.broadcast %broadcast_in_dim3A_285 : vector<1x128xf32> to vector<128x128xf32>
    %eq3A_412 = vector.broadcast %sub3A_410 : vector<128x1xf32> to vector<128x128xf32>
    %eq3A_413 = arith.cmpf oeq, %eq3A_411, %eq3A_412 : vector<128x128xf32>
    %jit3A_414 = arith.constant 0.000000e+00 : f32
    %broadcast_in_dim3A_415 = vector.broadcast %jit3A_414 : f32 to vector<128x128xf32>
    %select_n3A_416 = arith.select %eq3A_413, %convert_element_type3A_267, %broadcast_in_dim3A_415 : vector<128x128xi1>, vector<128x128xf32>
    %dot_general3A_417 = arith.constant dense<0.000000e+00> : vector<128x10xf32>
    %dot_general3A_418 = tpu.matmul %select_n3A_416, %select_n3A_407, %dot_general3A_417 {dimension_numbers = #tpu.dot_dimension_numbers<[1], [0], [0], [1], [0, 0, 1, 1], [], []>, transpose_lhs_hint = false} : vector<128x128xf32>, vector<128x10xf32>, vector<128x10xf32> -> vector<128x10xf32>
    %reduce_sum3A_419 = arith.constant dense<0.000000e+00> : vector<128xf32>
    %reduce_sum3A_420 = vector.multi_reduction <add>, %select_n3A_416, %reduce_sum3A_419 [1] : vector<128x128xf32> to vector<128xf32>
    %broadcast_in_dim3A_421 = vector.shape_cast %reduce_sum3A_420 : vector<128xf32> to vector<128x1xf32>
    %gt3A_422 = arith.constant 5.000000e-01 : f32
    %gt3A_423 = vector.broadcast %gt3A_422 : f32 to vector<128x1xf32>
    %gt3A_424 = arith.cmpf ogt, %broadcast_in_dim3A_421, %gt3A_423 : vector<128x1xf32>
    %broadcast_in_dim3A_425 = arith.constant 0.000000e+00 : f32
    %broadcast_in_dim3A_426 = vector.broadcast %broadcast_in_dim3A_425 : f32 to vector<128x10xf32>
    %eq3A_427 = arith.constant 0.000000e+00 : f32
    %eq3A_428 = vector.broadcast %eq3A_427 : f32 to vector<128x10xf32>
    %eq3A_429 = arith.cmpf oeq, %dot_general3A_418, %eq3A_428 : vector<128x10xf32>
    %slice3A_430 = vector.extract_strided_slice %select_n3A_407 {offsets = [0, 0], sizes = [128, 1], strides = [1, 1]} : vector<128x10xf32> to vector<128x1xf32>
    %jit3A_431 = arith.constant 0.000000e+00 : f32
    %broadcast_in_dim3A_432 = vector.shape_cast %slice3A_430 : vector<128x1xf32> to vector<128x1xf32>
    %broadcast_in_dim3A_433 = vector.broadcast %broadcast_in_dim3A_432 : vector<128x1xf32> to vector<128x10xf32>
    %broadcast_in_dim3A_434 = vector.broadcast %jit3A_431 : f32 to vector<128x10xf32>
    %select_n3A_435 = arith.select %eq3A_429, %broadcast_in_dim3A_433, %broadcast_in_dim3A_434 : vector<128x10xi1>, vector<128x10xf32>
    %add3A_436 = arith.addf %broadcast_in_dim3A_426, %select_n3A_435 : vector<128x10xf32>
    %eq3A_437 = arith.constant 1.000000e+00 : f32
    %eq3A_438 = vector.broadcast %eq3A_437 : f32 to vector<128x10xf32>
    %eq3A_439 = arith.cmpf oeq, %dot_general3A_418, %eq3A_438 : vector<128x10xf32>
    %slice3A_440 = vector.extract_strided_slice %select_n3A_407 {offsets = [0, 1], sizes = [128, 1], strides = [1, 1]} : vector<128x10xf32> to vector<128x1xf32>
    %jit3A_441 = arith.constant 0.000000e+00 : f32
    %broadcast_in_dim3A_442 = vector.shape_cast %slice3A_440 : vector<128x1xf32> to vector<128x1xf32>
    %broadcast_in_dim3A_443 = vector.broadcast %broadcast_in_dim3A_442 : vector<128x1xf32> to vector<128x10xf32>
    %broadcast_in_dim3A_444 = vector.broadcast %jit3A_441 : f32 to vector<128x10xf32>
    %select_n3A_445 = arith.select %eq3A_439, %broadcast_in_dim3A_443, %broadcast_in_dim3A_444 : vector<128x10xi1>, vector<128x10xf32>
    %add3A_446 = arith.addf %add3A_436, %select_n3A_445 : vector<128x10xf32>
    %eq3A_447 = arith.constant 2.000000e+00 : f32
    %eq3A_448 = vector.broadcast %eq3A_447 : f32 to vector<128x10xf32>
    %eq3A_449 = arith.cmpf oeq, %dot_general3A_418, %eq3A_448 : vector<128x10xf32>
    %slice3A_450 = vector.extract_strided_slice %select_n3A_407 {offsets = [0, 2], sizes = [128, 1], strides = [1, 1]} : vector<128x10xf32> to vector<128x1xf32>
    %jit3A_451 = arith.constant 0.000000e+00 : f32
    %broadcast_in_dim3A_452 = vector.shape_cast %slice3A_450 : vector<128x1xf32> to vector<128x1xf32>
    %broadcast_in_dim3A_453 = vector.broadcast %broadcast_in_dim3A_452 : vector<128x1xf32> to vector<128x10xf32>
    %broadcast_in_dim3A_454 = vector.broadcast %jit3A_451 : f32 to vector<128x10xf32>
    %select_n3A_455 = arith.select %eq3A_449, %broadcast_in_dim3A_453, %broadcast_in_dim3A_454 : vector<128x10xi1>, vector<128x10xf32>
    %add3A_456 = arith.addf %add3A_446, %select_n3A_455 : vector<128x10xf32>
    %eq3A_457 = arith.constant 3.000000e+00 : f32
    %eq3A_458 = vector.broadcast %eq3A_457 : f32 to vector<128x10xf32>
    %eq3A_459 = arith.cmpf oeq, %dot_general3A_418, %eq3A_458 : vector<128x10xf32>
    %slice3A_460 = vector.extract_strided_slice %select_n3A_407 {offsets = [0, 3], sizes = [128, 1], strides = [1, 1]} : vector<128x10xf32> to vector<128x1xf32>
    %jit3A_461 = arith.constant 0.000000e+00 : f32
    %broadcast_in_dim3A_462 = vector.shape_cast %slice3A_460 : vector<128x1xf32> to vector<128x1xf32>
    %broadcast_in_dim3A_463 = vector.broadcast %broadcast_in_dim3A_462 : vector<128x1xf32> to vector<128x10xf32>
    %broadcast_in_dim3A_464 = vector.broadcast %jit3A_461 : f32 to vector<128x10xf32>
    %select_n3A_465 = arith.select %eq3A_459, %broadcast_in_dim3A_463, %broadcast_in_dim3A_464 : vector<128x10xi1>, vector<128x10xf32>
    %add3A_466 = arith.addf %add3A_456, %select_n3A_465 : vector<128x10xf32>
    %eq3A_467 = arith.constant 4.000000e+00 : f32
    %eq3A_468 = vector.broadcast %eq3A_467 : f32 to vector<128x10xf32>
    %eq3A_469 = arith.cmpf oeq, %dot_general3A_418, %eq3A_468 : vector<128x10xf32>
    %slice3A_470 = vector.extract_strided_slice %select_n3A_407 {offsets = [0, 4], sizes = [128, 1], strides = [1, 1]} : vector<128x10xf32> to vector<128x1xf32>
    %jit3A_471 = arith.constant 0.000000e+00 : f32
    %broadcast_in_dim3A_472 = vector.shape_cast %slice3A_470 : vector<128x1xf32> to vector<128x1xf32>
    %broadcast_in_dim3A_473 = vector.broadcast %broadcast_in_dim3A_472 : vector<128x1xf32> to vector<128x10xf32>
    %broadcast_in_dim3A_474 = vector.broadcast %jit3A_471 : f32 to vector<128x10xf32>
    %select_n3A_475 = arith.select %eq3A_469, %broadcast_in_dim3A_473, %broadcast_in_dim3A_474 : vector<128x10xi1>, vector<128x10xf32>
    %add3A_476 = arith.addf %add3A_466, %select_n3A_475 : vector<128x10xf32>
    %eq3A_477 = arith.constant 5.000000e+00 : f32
    %eq3A_478 = vector.broadcast %eq3A_477 : f32 to vector<128x10xf32>
    %eq3A_479 = arith.cmpf oeq, %dot_general3A_418, %eq3A_478 : vector<128x10xf32>
    %slice3A_480 = vector.extract_strided_slice %select_n3A_407 {offsets = [0, 5], sizes = [128, 1], strides = [1, 1]} : vector<128x10xf32> to vector<128x1xf32>
    %jit3A_481 = arith.constant 0.000000e+00 : f32
    %broadcast_in_dim3A_482 = vector.shape_cast %slice3A_480 : vector<128x1xf32> to vector<128x1xf32>
    %broadcast_in_dim3A_483 = vector.broadcast %broadcast_in_dim3A_482 : vector<128x1xf32> to vector<128x10xf32>
    %broadcast_in_dim3A_484 = vector.broadcast %jit3A_481 : f32 to vector<128x10xf32>
    %select_n3A_485 = arith.select %eq3A_479, %broadcast_in_dim3A_483, %broadcast_in_dim3A_484 : vector<128x10xi1>, vector<128x10xf32>
    %add3A_486 = arith.addf %add3A_476, %select_n3A_485 : vector<128x10xf32>
    %eq3A_487 = arith.constant 6.000000e+00 : f32
    %eq3A_488 = vector.broadcast %eq3A_487 : f32 to vector<128x10xf32>
    %eq3A_489 = arith.cmpf oeq, %dot_general3A_418, %eq3A_488 : vector<128x10xf32>
    %slice3A_490 = vector.extract_strided_slice %select_n3A_407 {offsets = [0, 6], sizes = [128, 1], strides = [1, 1]} : vector<128x10xf32> to vector<128x1xf32>
    %jit3A_491 = arith.constant 0.000000e+00 : f32
    %broadcast_in_dim3A_492 = vector.shape_cast %slice3A_490 : vector<128x1xf32> to vector<128x1xf32>
    %broadcast_in_dim3A_493 = vector.broadcast %broadcast_in_dim3A_492 : vector<128x1xf32> to vector<128x10xf32>
    %broadcast_in_dim3A_494 = vector.broadcast %jit3A_491 : f32 to vector<128x10xf32>
    %select_n3A_495 = arith.select %eq3A_489, %broadcast_in_dim3A_493, %broadcast_in_dim3A_494 : vector<128x10xi1>, vector<128x10xf32>
    %add3A_496 = arith.addf %add3A_486, %select_n3A_495 : vector<128x10xf32>
    %eq3A_497 = arith.constant 7.000000e+00 : f32
    %eq3A_498 = vector.broadcast %eq3A_497 : f32 to vector<128x10xf32>
    %eq3A_499 = arith.cmpf oeq, %dot_general3A_418, %eq3A_498 : vector<128x10xf32>
    %slice3A_500 = vector.extract_strided_slice %select_n3A_407 {offsets = [0, 7], sizes = [128, 1], strides = [1, 1]} : vector<128x10xf32> to vector<128x1xf32>
    %jit3A_501 = arith.constant 0.000000e+00 : f32
    %broadcast_in_dim3A_502 = vector.shape_cast %slice3A_500 : vector<128x1xf32> to vector<128x1xf32>
    %broadcast_in_dim3A_503 = vector.broadcast %broadcast_in_dim3A_502 : vector<128x1xf32> to vector<128x10xf32>
    %broadcast_in_dim3A_504 = vector.broadcast %jit3A_501 : f32 to vector<128x10xf32>
    %select_n3A_505 = arith.select %eq3A_499, %broadcast_in_dim3A_503, %broadcast_in_dim3A_504 : vector<128x10xi1>, vector<128x10xf32>
    %add3A_506 = arith.addf %add3A_496, %select_n3A_505 : vector<128x10xf32>
    %eq3A_507 = arith.constant 8.000000e+00 : f32
    %eq3A_508 = vector.broadcast %eq3A_507 : f32 to vector<128x10xf32>
    %eq3A_509 = arith.cmpf oeq, %dot_general3A_418, %eq3A_508 : vector<128x10xf32>
    %slice3A_510 = vector.extract_strided_slice %select_n3A_407 {offsets = [0, 8], sizes = [128, 1], strides = [1, 1]} : vector<128x10xf32> to vector<128x1xf32>
    %jit3A_511 = arith.constant 0.000000e+00 : f32
    %broadcast_in_dim3A_512 = vector.shape_cast %slice3A_510 : vector<128x1xf32> to vector<128x1xf32>
    %broadcast_in_dim3A_513 = vector.broadcast %broadcast_in_dim3A_512 : vector<128x1xf32> to vector<128x10xf32>
    %broadcast_in_dim3A_514 = vector.broadcast %jit3A_511 : f32 to vector<128x10xf32>
    %select_n3A_515 = arith.select %eq3A_509, %broadcast_in_dim3A_513, %broadcast_in_dim3A_514 : vector<128x10xi1>, vector<128x10xf32>
    %add3A_516 = arith.addf %add3A_506, %select_n3A_515 : vector<128x10xf32>
    %eq3A_517 = arith.constant 9.000000e+00 : f32
    %eq3A_518 = vector.broadcast %eq3A_517 : f32 to vector<128x10xf32>
    %eq3A_519 = arith.cmpf oeq, %dot_general3A_418, %eq3A_518 : vector<128x10xf32>
    %slice3A_520 = vector.extract_strided_slice %select_n3A_407 {offsets = [0, 9], sizes = [128, 1], strides = [1, 1]} : vector<128x10xf32> to vector<128x1xf32>
    %jit3A_521 = arith.constant 0.000000e+00 : f32
    %broadcast_in_dim3A_522 = vector.shape_cast %slice3A_520 : vector<128x1xf32> to vector<128x1xf32>
    %broadcast_in_dim3A_523 = vector.broadcast %broadcast_in_dim3A_522 : vector<128x1xf32> to vector<128x10xf32>
    %broadcast_in_dim3A_524 = vector.broadcast %jit3A_521 : f32 to vector<128x10xf32>
    %select_n3A_525 = arith.select %eq3A_519, %broadcast_in_dim3A_523, %broadcast_in_dim3A_524 : vector<128x10xi1>, vector<128x10xf32>
    %add3A_526 = arith.addf %add3A_516, %select_n3A_525 : vector<128x10xf32>
    %broadcast_in_dim3A_527 = vector.shape_cast %gt3A_424 : vector<128x1xi1> to vector<128x1xi1>
    %broadcast_in_dim3A_528 = vector.broadcast %broadcast_in_dim3A_527 : vector<128x1xi1> to vector<128x10xi1>
    %select_n3A_529 = arith.select %broadcast_in_dim3A_528, %add3A_526, %select_n3A_407 : vector<128x10xi1>, vector<128x10xf32>
    %sub3A_530 = arith.constant 4.000000e+00 : f32
    %sub3A_531 = vector.broadcast %sub3A_530 : f32 to vector<128x1xf32>
    %sub3A_532 = arith.subf %broadcast_in_dim3A_276, %sub3A_531 : vector<128x1xf32>
    %eq3A_533 = vector.broadcast %broadcast_in_dim3A_285 : vector<1x128xf32> to vector<128x128xf32>
    %eq3A_534 = vector.broadcast %sub3A_532 : vector<128x1xf32> to vector<128x128xf32>
    %eq3A_535 = arith.cmpf oeq, %eq3A_533, %eq3A_534 : vector<128x128xf32>
    %jit3A_536 = arith.constant 0.000000e+00 : f32
    %broadcast_in_dim3A_537 = vector.broadcast %jit3A_536 : f32 to vector<128x128xf32>
    %select_n3A_538 = arith.select %eq3A_535, %convert_element_type3A_267, %broadcast_in_dim3A_537 : vector<128x128xi1>, vector<128x128xf32>
    %dot_general3A_539 = arith.constant dense<0.000000e+00> : vector<128x10xf32>
    %dot_general3A_540 = tpu.matmul %select_n3A_538, %select_n3A_529, %dot_general3A_539 {dimension_numbers = #tpu.dot_dimension_numbers<[1], [0], [0], [1], [0, 0, 1, 1], [], []>, transpose_lhs_hint = false} : vector<128x128xf32>, vector<128x10xf32>, vector<128x10xf32> -> vector<128x10xf32>
    %reduce_sum3A_541 = arith.constant dense<0.000000e+00> : vector<128xf32>
    %reduce_sum3A_542 = vector.multi_reduction <add>, %select_n3A_538, %reduce_sum3A_541 [1] : vector<128x128xf32> to vector<128xf32>
    %broadcast_in_dim3A_543 = vector.shape_cast %reduce_sum3A_542 : vector<128xf32> to vector<128x1xf32>
    %gt3A_544 = arith.constant 5.000000e-01 : f32
    %gt3A_545 = vector.broadcast %gt3A_544 : f32 to vector<128x1xf32>
    %gt3A_546 = arith.cmpf ogt, %broadcast_in_dim3A_543, %gt3A_545 : vector<128x1xf32>
    %broadcast_in_dim3A_547 = arith.constant 0.000000e+00 : f32
    %broadcast_in_dim3A_548 = vector.broadcast %broadcast_in_dim3A_547 : f32 to vector<128x10xf32>
    %eq3A_549 = arith.constant 0.000000e+00 : f32
    %eq3A_550 = vector.broadcast %eq3A_549 : f32 to vector<128x10xf32>
    %eq3A_551 = arith.cmpf oeq, %dot_general3A_540, %eq3A_550 : vector<128x10xf32>
    %slice3A_552 = vector.extract_strided_slice %select_n3A_529 {offsets = [0, 0], sizes = [128, 1], strides = [1, 1]} : vector<128x10xf32> to vector<128x1xf32>
    %jit3A_553 = arith.constant 0.000000e+00 : f32
    %broadcast_in_dim3A_554 = vector.shape_cast %slice3A_552 : vector<128x1xf32> to vector<128x1xf32>
    %broadcast_in_dim3A_555 = vector.broadcast %broadcast_in_dim3A_554 : vector<128x1xf32> to vector<128x10xf32>
    %broadcast_in_dim3A_556 = vector.broadcast %jit3A_553 : f32 to vector<128x10xf32>
    %select_n3A_557 = arith.select %eq3A_551, %broadcast_in_dim3A_555, %broadcast_in_dim3A_556 : vector<128x10xi1>, vector<128x10xf32>
    %add3A_558 = arith.addf %broadcast_in_dim3A_548, %select_n3A_557 : vector<128x10xf32>
    %eq3A_559 = arith.constant 1.000000e+00 : f32
    %eq3A_560 = vector.broadcast %eq3A_559 : f32 to vector<128x10xf32>
    %eq3A_561 = arith.cmpf oeq, %dot_general3A_540, %eq3A_560 : vector<128x10xf32>
    %slice3A_562 = vector.extract_strided_slice %select_n3A_529 {offsets = [0, 1], sizes = [128, 1], strides = [1, 1]} : vector<128x10xf32> to vector<128x1xf32>
    %jit3A_563 = arith.constant 0.000000e+00 : f32
    %broadcast_in_dim3A_564 = vector.shape_cast %slice3A_562 : vector<128x1xf32> to vector<128x1xf32>
    %broadcast_in_dim3A_565 = vector.broadcast %broadcast_in_dim3A_564 : vector<128x1xf32> to vector<128x10xf32>
    %broadcast_in_dim3A_566 = vector.broadcast %jit3A_563 : f32 to vector<128x10xf32>
    %select_n3A_567 = arith.select %eq3A_561, %broadcast_in_dim3A_565, %broadcast_in_dim3A_566 : vector<128x10xi1>, vector<128x10xf32>
    %add3A_568 = arith.addf %add3A_558, %select_n3A_567 : vector<128x10xf32>
    %eq3A_569 = arith.constant 2.000000e+00 : f32
    %eq3A_570 = vector.broadcast %eq3A_569 : f32 to vector<128x10xf32>
    %eq3A_571 = arith.cmpf oeq, %dot_general3A_540, %eq3A_570 : vector<128x10xf32>
    %slice3A_572 = vector.extract_strided_slice %select_n3A_529 {offsets = [0, 2], sizes = [128, 1], strides = [1, 1]} : vector<128x10xf32> to vector<128x1xf32>
    %jit3A_573 = arith.constant 0.000000e+00 : f32
    %broadcast_in_dim3A_574 = vector.shape_cast %slice3A_572 : vector<128x1xf32> to vector<128x1xf32>
    %broadcast_in_dim3A_575 = vector.broadcast %broadcast_in_dim3A_574 : vector<128x1xf32> to vector<128x10xf32>
    %broadcast_in_dim3A_576 = vector.broadcast %jit3A_573 : f32 to vector<128x10xf32>
    %select_n3A_577 = arith.select %eq3A_571, %broadcast_in_dim3A_575, %broadcast_in_dim3A_576 : vector<128x10xi1>, vector<128x10xf32>
    %add3A_578 = arith.addf %add3A_568, %select_n3A_577 : vector<128x10xf32>
    %eq3A_579 = arith.constant 3.000000e+00 : f32
    %eq3A_580 = vector.broadcast %eq3A_579 : f32 to vector<128x10xf32>
    %eq3A_581 = arith.cmpf oeq, %dot_general3A_540, %eq3A_580 : vector<128x10xf32>
    %slice3A_582 = vector.extract_strided_slice %select_n3A_529 {offsets = [0, 3], sizes = [128, 1], strides = [1, 1]} : vector<128x10xf32> to vector<128x1xf32>
    %jit3A_583 = arith.constant 0.000000e+00 : f32
    %broadcast_in_dim3A_584 = vector.shape_cast %slice3A_582 : vector<128x1xf32> to vector<128x1xf32>
    %broadcast_in_dim3A_585 = vector.broadcast %broadcast_in_dim3A_584 : vector<128x1xf32> to vector<128x10xf32>
    %broadcast_in_dim3A_586 = vector.broadcast %jit3A_583 : f32 to vector<128x10xf32>
    %select_n3A_587 = arith.select %eq3A_581, %broadcast_in_dim3A_585, %broadcast_in_dim3A_586 : vector<128x10xi1>, vector<128x10xf32>
    %add3A_588 = arith.addf %add3A_578, %select_n3A_587 : vector<128x10xf32>
    %eq3A_589 = arith.constant 4.000000e+00 : f32
    %eq3A_590 = vector.broadcast %eq3A_589 : f32 to vector<128x10xf32>
    %eq3A_591 = arith.cmpf oeq, %dot_general3A_540, %eq3A_590 : vector<128x10xf32>
    %slice3A_592 = vector.extract_strided_slice %select_n3A_529 {offsets = [0, 4], sizes = [128, 1], strides = [1, 1]} : vector<128x10xf32> to vector<128x1xf32>
    %jit3A_593 = arith.constant 0.000000e+00 : f32
    %broadcast_in_dim3A_594 = vector.shape_cast %slice3A_592 : vector<128x1xf32> to vector<128x1xf32>
    %broadcast_in_dim3A_595 = vector.broadcast %broadcast_in_dim3A_594 : vector<128x1xf32> to vector<128x10xf32>
    %broadcast_in_dim3A_596 = vector.broadcast %jit3A_593 : f32 to vector<128x10xf32>
    %select_n3A_597 = arith.select %eq3A_591, %broadcast_in_dim3A_595, %broadcast_in_dim3A_596 : vector<128x10xi1>, vector<128x10xf32>
    %add3A_598 = arith.addf %add3A_588, %select_n3A_597 : vector<128x10xf32>
    %eq3A_599 = arith.constant 5.000000e+00 : f32
    %eq3A_600 = vector.broadcast %eq3A_599 : f32 to vector<128x10xf32>
    %eq3A_601 = arith.cmpf oeq, %dot_general3A_540, %eq3A_600 : vector<128x10xf32>
    %slice3A_602 = vector.extract_strided_slice %select_n3A_529 {offsets = [0, 5], sizes = [128, 1], strides = [1, 1]} : vector<128x10xf32> to vector<128x1xf32>
    %jit3A_603 = arith.constant 0.000000e+00 : f32
    %broadcast_in_dim3A_604 = vector.shape_cast %slice3A_602 : vector<128x1xf32> to vector<128x1xf32>
    %broadcast_in_dim3A_605 = vector.broadcast %broadcast_in_dim3A_604 : vector<128x1xf32> to vector<128x10xf32>
    %broadcast_in_dim3A_606 = vector.broadcast %jit3A_603 : f32 to vector<128x10xf32>
    %select_n3A_607 = arith.select %eq3A_601, %broadcast_in_dim3A_605, %broadcast_in_dim3A_606 : vector<128x10xi1>, vector<128x10xf32>
    %add3A_608 = arith.addf %add3A_598, %select_n3A_607 : vector<128x10xf32>
    %eq3A_609 = arith.constant 6.000000e+00 : f32
    %eq3A_610 = vector.broadcast %eq3A_609 : f32 to vector<128x10xf32>
    %eq3A_611 = arith.cmpf oeq, %dot_general3A_540, %eq3A_610 : vector<128x10xf32>
    %slice3A_612 = vector.extract_strided_slice %select_n3A_529 {offsets = [0, 6], sizes = [128, 1], strides = [1, 1]} : vector<128x10xf32> to vector<128x1xf32>
    %jit3A_613 = arith.constant 0.000000e+00 : f32
    %broadcast_in_dim3A_614 = vector.shape_cast %slice3A_612 : vector<128x1xf32> to vector<128x1xf32>
    %broadcast_in_dim3A_615 = vector.broadcast %broadcast_in_dim3A_614 : vector<128x1xf32> to vector<128x10xf32>
    %broadcast_in_dim3A_616 = vector.broadcast %jit3A_613 : f32 to vector<128x10xf32>
    %select_n3A_617 = arith.select %eq3A_611, %broadcast_in_dim3A_615, %broadcast_in_dim3A_616 : vector<128x10xi1>, vector<128x10xf32>
    %add3A_618 = arith.addf %add3A_608, %select_n3A_617 : vector<128x10xf32>
    %eq3A_619 = arith.constant 7.000000e+00 : f32
    %eq3A_620 = vector.broadcast %eq3A_619 : f32 to vector<128x10xf32>
    %eq3A_621 = arith.cmpf oeq, %dot_general3A_540, %eq3A_620 : vector<128x10xf32>
    %slice3A_622 = vector.extract_strided_slice %select_n3A_529 {offsets = [0, 7], sizes = [128, 1], strides = [1, 1]} : vector<128x10xf32> to vector<128x1xf32>
    %jit3A_623 = arith.constant 0.000000e+00 : f32
    %broadcast_in_dim3A_624 = vector.shape_cast %slice3A_622 : vector<128x1xf32> to vector<128x1xf32>
    %broadcast_in_dim3A_625 = vector.broadcast %broadcast_in_dim3A_624 : vector<128x1xf32> to vector<128x10xf32>
    %broadcast_in_dim3A_626 = vector.broadcast %jit3A_623 : f32 to vector<128x10xf32>
    %select_n3A_627 = arith.select %eq3A_621, %broadcast_in_dim3A_625, %broadcast_in_dim3A_626 : vector<128x10xi1>, vector<128x10xf32>
    %add3A_628 = arith.addf %add3A_618, %select_n3A_627 : vector<128x10xf32>
    %eq3A_629 = arith.constant 8.000000e+00 : f32
    %eq3A_630 = vector.broadcast %eq3A_629 : f32 to vector<128x10xf32>
    %eq3A_631 = arith.cmpf oeq, %dot_general3A_540, %eq3A_630 : vector<128x10xf32>
    %slice3A_632 = vector.extract_strided_slice %select_n3A_529 {offsets = [0, 8], sizes = [128, 1], strides = [1, 1]} : vector<128x10xf32> to vector<128x1xf32>
    %jit3A_633 = arith.constant 0.000000e+00 : f32
    %broadcast_in_dim3A_634 = vector.shape_cast %slice3A_632 : vector<128x1xf32> to vector<128x1xf32>
    %broadcast_in_dim3A_635 = vector.broadcast %broadcast_in_dim3A_634 : vector<128x1xf32> to vector<128x10xf32>
    %broadcast_in_dim3A_636 = vector.broadcast %jit3A_633 : f32 to vector<128x10xf32>
    %select_n3A_637 = arith.select %eq3A_631, %broadcast_in_dim3A_635, %broadcast_in_dim3A_636 : vector<128x10xi1>, vector<128x10xf32>
    %add3A_638 = arith.addf %add3A_628, %select_n3A_637 : vector<128x10xf32>
    %eq3A_639 = arith.constant 9.000000e+00 : f32
    %eq3A_640 = vector.broadcast %eq3A_639 : f32 to vector<128x10xf32>
    %eq3A_641 = arith.cmpf oeq, %dot_general3A_540, %eq3A_640 : vector<128x10xf32>
    %slice3A_642 = vector.extract_strided_slice %select_n3A_529 {offsets = [0, 9], sizes = [128, 1], strides = [1, 1]} : vector<128x10xf32> to vector<128x1xf32>
    %jit3A_643 = arith.constant 0.000000e+00 : f32
    %broadcast_in_dim3A_644 = vector.shape_cast %slice3A_642 : vector<128x1xf32> to vector<128x1xf32>
    %broadcast_in_dim3A_645 = vector.broadcast %broadcast_in_dim3A_644 : vector<128x1xf32> to vector<128x10xf32>
    %broadcast_in_dim3A_646 = vector.broadcast %jit3A_643 : f32 to vector<128x10xf32>
    %select_n3A_647 = arith.select %eq3A_641, %broadcast_in_dim3A_645, %broadcast_in_dim3A_646 : vector<128x10xi1>, vector<128x10xf32>
    %add3A_648 = arith.addf %add3A_638, %select_n3A_647 : vector<128x10xf32>
    %broadcast_in_dim3A_649 = vector.shape_cast %gt3A_546 : vector<128x1xi1> to vector<128x1xi1>
    %broadcast_in_dim3A_650 = vector.broadcast %broadcast_in_dim3A_649 : vector<128x1xi1> to vector<128x10xi1>
    %select_n3A_651 = arith.select %broadcast_in_dim3A_650, %add3A_648, %select_n3A_529 : vector<128x10xi1>, vector<128x10xf32>
    %sub3A_652 = arith.constant 8.000000e+00 : f32
    %sub3A_653 = vector.broadcast %sub3A_652 : f32 to vector<128x1xf32>
    %sub3A_654 = arith.subf %broadcast_in_dim3A_276, %sub3A_653 : vector<128x1xf32>
    %eq3A_655 = vector.broadcast %broadcast_in_dim3A_285 : vector<1x128xf32> to vector<128x128xf32>
    %eq3A_656 = vector.broadcast %sub3A_654 : vector<128x1xf32> to vector<128x128xf32>
    %eq3A_657 = arith.cmpf oeq, %eq3A_655, %eq3A_656 : vector<128x128xf32>
    %jit3A_658 = arith.constant 0.000000e+00 : f32
    %broadcast_in_dim3A_659 = vector.broadcast %jit3A_658 : f32 to vector<128x128xf32>
    %select_n3A_660 = arith.select %eq3A_657, %convert_element_type3A_267, %broadcast_in_dim3A_659 : vector<128x128xi1>, vector<128x128xf32>
    %dot_general3A_661 = arith.constant dense<0.000000e+00> : vector<128x10xf32>
    %dot_general3A_662 = tpu.matmul %select_n3A_660, %select_n3A_651, %dot_general3A_661 {dimension_numbers = #tpu.dot_dimension_numbers<[1], [0], [0], [1], [0, 0, 1, 1], [], []>, transpose_lhs_hint = false} : vector<128x128xf32>, vector<128x10xf32>, vector<128x10xf32> -> vector<128x10xf32>
    %reduce_sum3A_663 = arith.constant dense<0.000000e+00> : vector<128xf32>
    %reduce_sum3A_664 = vector.multi_reduction <add>, %select_n3A_660, %reduce_sum3A_663 [1] : vector<128x128xf32> to vector<128xf32>
    %broadcast_in_dim3A_665 = vector.shape_cast %reduce_sum3A_664 : vector<128xf32> to vector<128x1xf32>
    %gt3A_666 = arith.constant 5.000000e-01 : f32
    %gt3A_667 = vector.broadcast %gt3A_666 : f32 to vector<128x1xf32>
    %gt3A_668 = arith.cmpf ogt, %broadcast_in_dim3A_665, %gt3A_667 : vector<128x1xf32>
    %broadcast_in_dim3A_669 = arith.constant 0.000000e+00 : f32
    %broadcast_in_dim3A_670 = vector.broadcast %broadcast_in_dim3A_669 : f32 to vector<128x10xf32>
    %eq3A_671 = arith.constant 0.000000e+00 : f32
    %eq3A_672 = vector.broadcast %eq3A_671 : f32 to vector<128x10xf32>
    %eq3A_673 = arith.cmpf oeq, %dot_general3A_662, %eq3A_672 : vector<128x10xf32>
    %slice3A_674 = vector.extract_strided_slice %select_n3A_651 {offsets = [0, 0], sizes = [128, 1], strides = [1, 1]} : vector<128x10xf32> to vector<128x1xf32>
    %jit3A_675 = arith.constant 0.000000e+00 : f32
    %broadcast_in_dim3A_676 = vector.shape_cast %slice3A_674 : vector<128x1xf32> to vector<128x1xf32>
    %broadcast_in_dim3A_677 = vector.broadcast %broadcast_in_dim3A_676 : vector<128x1xf32> to vector<128x10xf32>
    %broadcast_in_dim3A_678 = vector.broadcast %jit3A_675 : f32 to vector<128x10xf32>
    %select_n3A_679 = arith.select %eq3A_673, %broadcast_in_dim3A_677, %broadcast_in_dim3A_678 : vector<128x10xi1>, vector<128x10xf32>
    %add3A_680 = arith.addf %broadcast_in_dim3A_670, %select_n3A_679 : vector<128x10xf32>
    %eq3A_681 = arith.constant 1.000000e+00 : f32
    %eq3A_682 = vector.broadcast %eq3A_681 : f32 to vector<128x10xf32>
    %eq3A_683 = arith.cmpf oeq, %dot_general3A_662, %eq3A_682 : vector<128x10xf32>
    %slice3A_684 = vector.extract_strided_slice %select_n3A_651 {offsets = [0, 1], sizes = [128, 1], strides = [1, 1]} : vector<128x10xf32> to vector<128x1xf32>
    %jit3A_685 = arith.constant 0.000000e+00 : f32
    %broadcast_in_dim3A_686 = vector.shape_cast %slice3A_684 : vector<128x1xf32> to vector<128x1xf32>
    %broadcast_in_dim3A_687 = vector.broadcast %broadcast_in_dim3A_686 : vector<128x1xf32> to vector<128x10xf32>
    %broadcast_in_dim3A_688 = vector.broadcast %jit3A_685 : f32 to vector<128x10xf32>
    %select_n3A_689 = arith.select %eq3A_683, %broadcast_in_dim3A_687, %broadcast_in_dim3A_688 : vector<128x10xi1>, vector<128x10xf32>
    %add3A_690 = arith.addf %add3A_680, %select_n3A_689 : vector<128x10xf32>
    %eq3A_691 = arith.constant 2.000000e+00 : f32
    %eq3A_692 = vector.broadcast %eq3A_691 : f32 to vector<128x10xf32>
    %eq3A_693 = arith.cmpf oeq, %dot_general3A_662, %eq3A_692 : vector<128x10xf32>
    %slice3A_694 = vector.extract_strided_slice %select_n3A_651 {offsets = [0, 2], sizes = [128, 1], strides = [1, 1]} : vector<128x10xf32> to vector<128x1xf32>
    %jit3A_695 = arith.constant 0.000000e+00 : f32
    %broadcast_in_dim3A_696 = vector.shape_cast %slice3A_694 : vector<128x1xf32> to vector<128x1xf32>
    %broadcast_in_dim3A_697 = vector.broadcast %broadcast_in_dim3A_696 : vector<128x1xf32> to vector<128x10xf32>
    %broadcast_in_dim3A_698 = vector.broadcast %jit3A_695 : f32 to vector<128x10xf32>
    %select_n3A_699 = arith.select %eq3A_693, %broadcast_in_dim3A_697, %broadcast_in_dim3A_698 : vector<128x10xi1>, vector<128x10xf32>
    %add3A_700 = arith.addf %add3A_690, %select_n3A_699 : vector<128x10xf32>
    %eq3A_701 = arith.constant 3.000000e+00 : f32
    %eq3A_702 = vector.broadcast %eq3A_701 : f32 to vector<128x10xf32>
    %eq3A_703 = arith.cmpf oeq, %dot_general3A_662, %eq3A_702 : vector<128x10xf32>
    %slice3A_704 = vector.extract_strided_slice %select_n3A_651 {offsets = [0, 3], sizes = [128, 1], strides = [1, 1]} : vector<128x10xf32> to vector<128x1xf32>
    %jit3A_705 = arith.constant 0.000000e+00 : f32
    %broadcast_in_dim3A_706 = vector.shape_cast %slice3A_704 : vector<128x1xf32> to vector<128x1xf32>
    %broadcast_in_dim3A_707 = vector.broadcast %broadcast_in_dim3A_706 : vector<128x1xf32> to vector<128x10xf32>
    %broadcast_in_dim3A_708 = vector.broadcast %jit3A_705 : f32 to vector<128x10xf32>
    %select_n3A_709 = arith.select %eq3A_703, %broadcast_in_dim3A_707, %broadcast_in_dim3A_708 : vector<128x10xi1>, vector<128x10xf32>
    %add3A_710 = arith.addf %add3A_700, %select_n3A_709 : vector<128x10xf32>
    %eq3A_711 = arith.constant 4.000000e+00 : f32
    %eq3A_712 = vector.broadcast %eq3A_711 : f32 to vector<128x10xf32>
    %eq3A_713 = arith.cmpf oeq, %dot_general3A_662, %eq3A_712 : vector<128x10xf32>
    %slice3A_714 = vector.extract_strided_slice %select_n3A_651 {offsets = [0, 4], sizes = [128, 1], strides = [1, 1]} : vector<128x10xf32> to vector<128x1xf32>
    %jit3A_715 = arith.constant 0.000000e+00 : f32
    %broadcast_in_dim3A_716 = vector.shape_cast %slice3A_714 : vector<128x1xf32> to vector<128x1xf32>
    %broadcast_in_dim3A_717 = vector.broadcast %broadcast_in_dim3A_716 : vector<128x1xf32> to vector<128x10xf32>
    %broadcast_in_dim3A_718 = vector.broadcast %jit3A_715 : f32 to vector<128x10xf32>
    %select_n3A_719 = arith.select %eq3A_713, %broadcast_in_dim3A_717, %broadcast_in_dim3A_718 : vector<128x10xi1>, vector<128x10xf32>
    %add3A_720 = arith.addf %add3A_710, %select_n3A_719 : vector<128x10xf32>
    %eq3A_721 = arith.constant 5.000000e+00 : f32
    %eq3A_722 = vector.broadcast %eq3A_721 : f32 to vector<128x10xf32>
    %eq3A_723 = arith.cmpf oeq, %dot_general3A_662, %eq3A_722 : vector<128x10xf32>
    %slice3A_724 = vector.extract_strided_slice %select_n3A_651 {offsets = [0, 5], sizes = [128, 1], strides = [1, 1]} : vector<128x10xf32> to vector<128x1xf32>
    %jit3A_725 = arith.constant 0.000000e+00 : f32
    %broadcast_in_dim3A_726 = vector.shape_cast %slice3A_724 : vector<128x1xf32> to vector<128x1xf32>
    %broadcast_in_dim3A_727 = vector.broadcast %broadcast_in_dim3A_726 : vector<128x1xf32> to vector<128x10xf32>
    %broadcast_in_dim3A_728 = vector.broadcast %jit3A_725 : f32 to vector<128x10xf32>
    %select_n3A_729 = arith.select %eq3A_723, %broadcast_in_dim3A_727, %broadcast_in_dim3A_728 : vector<128x10xi1>, vector<128x10xf32>
    %add3A_730 = arith.addf %add3A_720, %select_n3A_729 : vector<128x10xf32>
    %eq3A_731 = arith.constant 6.000000e+00 : f32
    %eq3A_732 = vector.broadcast %eq3A_731 : f32 to vector<128x10xf32>
    %eq3A_733 = arith.cmpf oeq, %dot_general3A_662, %eq3A_732 : vector<128x10xf32>
    %slice3A_734 = vector.extract_strided_slice %select_n3A_651 {offsets = [0, 6], sizes = [128, 1], strides = [1, 1]} : vector<128x10xf32> to vector<128x1xf32>
    %jit3A_735 = arith.constant 0.000000e+00 : f32
    %broadcast_in_dim3A_736 = vector.shape_cast %slice3A_734 : vector<128x1xf32> to vector<128x1xf32>
    %broadcast_in_dim3A_737 = vector.broadcast %broadcast_in_dim3A_736 : vector<128x1xf32> to vector<128x10xf32>
    %broadcast_in_dim3A_738 = vector.broadcast %jit3A_735 : f32 to vector<128x10xf32>
    %select_n3A_739 = arith.select %eq3A_733, %broadcast_in_dim3A_737, %broadcast_in_dim3A_738 : vector<128x10xi1>, vector<128x10xf32>
    %add3A_740 = arith.addf %add3A_730, %select_n3A_739 : vector<128x10xf32>
    %eq3A_741 = arith.constant 7.000000e+00 : f32
    %eq3A_742 = vector.broadcast %eq3A_741 : f32 to vector<128x10xf32>
    %eq3A_743 = arith.cmpf oeq, %dot_general3A_662, %eq3A_742 : vector<128x10xf32>
    %slice3A_744 = vector.extract_strided_slice %select_n3A_651 {offsets = [0, 7], sizes = [128, 1], strides = [1, 1]} : vector<128x10xf32> to vector<128x1xf32>
    %jit3A_745 = arith.constant 0.000000e+00 : f32
    %broadcast_in_dim3A_746 = vector.shape_cast %slice3A_744 : vector<128x1xf32> to vector<128x1xf32>
    %broadcast_in_dim3A_747 = vector.broadcast %broadcast_in_dim3A_746 : vector<128x1xf32> to vector<128x10xf32>
    %broadcast_in_dim3A_748 = vector.broadcast %jit3A_745 : f32 to vector<128x10xf32>
    %select_n3A_749 = arith.select %eq3A_743, %broadcast_in_dim3A_747, %broadcast_in_dim3A_748 : vector<128x10xi1>, vector<128x10xf32>
    %add3A_750 = arith.addf %add3A_740, %select_n3A_749 : vector<128x10xf32>
    %eq3A_751 = arith.constant 8.000000e+00 : f32
    %eq3A_752 = vector.broadcast %eq3A_751 : f32 to vector<128x10xf32>
    %eq3A_753 = arith.cmpf oeq, %dot_general3A_662, %eq3A_752 : vector<128x10xf32>
    %slice3A_754 = vector.extract_strided_slice %select_n3A_651 {offsets = [0, 8], sizes = [128, 1], strides = [1, 1]} : vector<128x10xf32> to vector<128x1xf32>
    %jit3A_755 = arith.constant 0.000000e+00 : f32
    %broadcast_in_dim3A_756 = vector.shape_cast %slice3A_754 : vector<128x1xf32> to vector<128x1xf32>
    %broadcast_in_dim3A_757 = vector.broadcast %broadcast_in_dim3A_756 : vector<128x1xf32> to vector<128x10xf32>
    %broadcast_in_dim3A_758 = vector.broadcast %jit3A_755 : f32 to vector<128x10xf32>
    %select_n3A_759 = arith.select %eq3A_753, %broadcast_in_dim3A_757, %broadcast_in_dim3A_758 : vector<128x10xi1>, vector<128x10xf32>
    %add3A_760 = arith.addf %add3A_750, %select_n3A_759 : vector<128x10xf32>
    %eq3A_761 = arith.constant 9.000000e+00 : f32
    %eq3A_762 = vector.broadcast %eq3A_761 : f32 to vector<128x10xf32>
    %eq3A_763 = arith.cmpf oeq, %dot_general3A_662, %eq3A_762 : vector<128x10xf32>
    %slice3A_764 = vector.extract_strided_slice %select_n3A_651 {offsets = [0, 9], sizes = [128, 1], strides = [1, 1]} : vector<128x10xf32> to vector<128x1xf32>
    %jit3A_765 = arith.constant 0.000000e+00 : f32
    %broadcast_in_dim3A_766 = vector.shape_cast %slice3A_764 : vector<128x1xf32> to vector<128x1xf32>
    %broadcast_in_dim3A_767 = vector.broadcast %broadcast_in_dim3A_766 : vector<128x1xf32> to vector<128x10xf32>
    %broadcast_in_dim3A_768 = vector.broadcast %jit3A_765 : f32 to vector<128x10xf32>
    %select_n3A_769 = arith.select %eq3A_763, %broadcast_in_dim3A_767, %broadcast_in_dim3A_768 : vector<128x10xi1>, vector<128x10xf32>
    %add3A_770 = arith.addf %add3A_760, %select_n3A_769 : vector<128x10xf32>
    %broadcast_in_dim3A_771 = vector.shape_cast %gt3A_668 : vector<128x1xi1> to vector<128x1xi1>
    %broadcast_in_dim3A_772 = vector.broadcast %broadcast_in_dim3A_771 : vector<128x1xi1> to vector<128x10xi1>
    %select_n3A_773 = arith.select %broadcast_in_dim3A_772, %add3A_770, %select_n3A_651 : vector<128x10xi1>, vector<128x10xf32>
    %sub3A_774 = arith.constant 1.600000e+01 : f32
    %sub3A_775 = vector.broadcast %sub3A_774 : f32 to vector<128x1xf32>
    %sub3A_776 = arith.subf %broadcast_in_dim3A_276, %sub3A_775 : vector<128x1xf32>
    %eq3A_777 = vector.broadcast %broadcast_in_dim3A_285 : vector<1x128xf32> to vector<128x128xf32>
    %eq3A_778 = vector.broadcast %sub3A_776 : vector<128x1xf32> to vector<128x128xf32>
    %eq3A_779 = arith.cmpf oeq, %eq3A_777, %eq3A_778 : vector<128x128xf32>
    %jit3A_780 = arith.constant 0.000000e+00 : f32
    %broadcast_in_dim3A_781 = vector.broadcast %jit3A_780 : f32 to vector<128x128xf32>
    %select_n3A_782 = arith.select %eq3A_779, %convert_element_type3A_267, %broadcast_in_dim3A_781 : vector<128x128xi1>, vector<128x128xf32>
    %dot_general3A_783 = arith.constant dense<0.000000e+00> : vector<128x10xf32>
    %dot_general3A_784 = tpu.matmul %select_n3A_782, %select_n3A_773, %dot_general3A_783 {dimension_numbers = #tpu.dot_dimension_numbers<[1], [0], [0], [1], [0, 0, 1, 1], [], []>, transpose_lhs_hint = false} : vector<128x128xf32>, vector<128x10xf32>, vector<128x10xf32> -> vector<128x10xf32>
    %reduce_sum3A_785 = arith.constant dense<0.000000e+00> : vector<128xf32>
    %reduce_sum3A_786 = vector.multi_reduction <add>, %select_n3A_782, %reduce_sum3A_785 [1] : vector<128x128xf32> to vector<128xf32>
    %broadcast_in_dim3A_787 = vector.shape_cast %reduce_sum3A_786 : vector<128xf32> to vector<128x1xf32>
    %gt3A_788 = arith.constant 5.000000e-01 : f32
    %gt3A_789 = vector.broadcast %gt3A_788 : f32 to vector<128x1xf32>
    %gt3A_790 = arith.cmpf ogt, %broadcast_in_dim3A_787, %gt3A_789 : vector<128x1xf32>
    %broadcast_in_dim3A_791 = arith.constant 0.000000e+00 : f32
    %broadcast_in_dim3A_792 = vector.broadcast %broadcast_in_dim3A_791 : f32 to vector<128x10xf32>
    %eq3A_793 = arith.constant 0.000000e+00 : f32
    %eq3A_794 = vector.broadcast %eq3A_793 : f32 to vector<128x10xf32>
    %eq3A_795 = arith.cmpf oeq, %dot_general3A_784, %eq3A_794 : vector<128x10xf32>
    %slice3A_796 = vector.extract_strided_slice %select_n3A_773 {offsets = [0, 0], sizes = [128, 1], strides = [1, 1]} : vector<128x10xf32> to vector<128x1xf32>
    %jit3A_797 = arith.constant 0.000000e+00 : f32
    %broadcast_in_dim3A_798 = vector.shape_cast %slice3A_796 : vector<128x1xf32> to vector<128x1xf32>
    %broadcast_in_dim3A_799 = vector.broadcast %broadcast_in_dim3A_798 : vector<128x1xf32> to vector<128x10xf32>
    %broadcast_in_dim3A_800 = vector.broadcast %jit3A_797 : f32 to vector<128x10xf32>
    %select_n3A_801 = arith.select %eq3A_795, %broadcast_in_dim3A_799, %broadcast_in_dim3A_800 : vector<128x10xi1>, vector<128x10xf32>
    %add3A_802 = arith.addf %broadcast_in_dim3A_792, %select_n3A_801 : vector<128x10xf32>
    %eq3A_803 = arith.constant 1.000000e+00 : f32
    %eq3A_804 = vector.broadcast %eq3A_803 : f32 to vector<128x10xf32>
    %eq3A_805 = arith.cmpf oeq, %dot_general3A_784, %eq3A_804 : vector<128x10xf32>
    %slice3A_806 = vector.extract_strided_slice %select_n3A_773 {offsets = [0, 1], sizes = [128, 1], strides = [1, 1]} : vector<128x10xf32> to vector<128x1xf32>
    %jit3A_807 = arith.constant 0.000000e+00 : f32
    %broadcast_in_dim3A_808 = vector.shape_cast %slice3A_806 : vector<128x1xf32> to vector<128x1xf32>
    %broadcast_in_dim3A_809 = vector.broadcast %broadcast_in_dim3A_808 : vector<128x1xf32> to vector<128x10xf32>
    %broadcast_in_dim3A_810 = vector.broadcast %jit3A_807 : f32 to vector<128x10xf32>
    %select_n3A_811 = arith.select %eq3A_805, %broadcast_in_dim3A_809, %broadcast_in_dim3A_810 : vector<128x10xi1>, vector<128x10xf32>
    %add3A_812 = arith.addf %add3A_802, %select_n3A_811 : vector<128x10xf32>
    %eq3A_813 = arith.constant 2.000000e+00 : f32
    %eq3A_814 = vector.broadcast %eq3A_813 : f32 to vector<128x10xf32>
    %eq3A_815 = arith.cmpf oeq, %dot_general3A_784, %eq3A_814 : vector<128x10xf32>
    %slice3A_816 = vector.extract_strided_slice %select_n3A_773 {offsets = [0, 2], sizes = [128, 1], strides = [1, 1]} : vector<128x10xf32> to vector<128x1xf32>
    %jit3A_817 = arith.constant 0.000000e+00 : f32
    %broadcast_in_dim3A_818 = vector.shape_cast %slice3A_816 : vector<128x1xf32> to vector<128x1xf32>
    %broadcast_in_dim3A_819 = vector.broadcast %broadcast_in_dim3A_818 : vector<128x1xf32> to vector<128x10xf32>
    %broadcast_in_dim3A_820 = vector.broadcast %jit3A_817 : f32 to vector<128x10xf32>
    %select_n3A_821 = arith.select %eq3A_815, %broadcast_in_dim3A_819, %broadcast_in_dim3A_820 : vector<128x10xi1>, vector<128x10xf32>
    %add3A_822 = arith.addf %add3A_812, %select_n3A_821 : vector<128x10xf32>
    %eq3A_823 = arith.constant 3.000000e+00 : f32
    %eq3A_824 = vector.broadcast %eq3A_823 : f32 to vector<128x10xf32>
    %eq3A_825 = arith.cmpf oeq, %dot_general3A_784, %eq3A_824 : vector<128x10xf32>
    %slice3A_826 = vector.extract_strided_slice %select_n3A_773 {offsets = [0, 3], sizes = [128, 1], strides = [1, 1]} : vector<128x10xf32> to vector<128x1xf32>
    %jit3A_827 = arith.constant 0.000000e+00 : f32
    %broadcast_in_dim3A_828 = vector.shape_cast %slice3A_826 : vector<128x1xf32> to vector<128x1xf32>
    %broadcast_in_dim3A_829 = vector.broadcast %broadcast_in_dim3A_828 : vector<128x1xf32> to vector<128x10xf32>
    %broadcast_in_dim3A_830 = vector.broadcast %jit3A_827 : f32 to vector<128x10xf32>
    %select_n3A_831 = arith.select %eq3A_825, %broadcast_in_dim3A_829, %broadcast_in_dim3A_830 : vector<128x10xi1>, vector<128x10xf32>
    %add3A_832 = arith.addf %add3A_822, %select_n3A_831 : vector<128x10xf32>
    %eq3A_833 = arith.constant 4.000000e+00 : f32
    %eq3A_834 = vector.broadcast %eq3A_833 : f32 to vector<128x10xf32>
    %eq3A_835 = arith.cmpf oeq, %dot_general3A_784, %eq3A_834 : vector<128x10xf32>
    %slice3A_836 = vector.extract_strided_slice %select_n3A_773 {offsets = [0, 4], sizes = [128, 1], strides = [1, 1]} : vector<128x10xf32> to vector<128x1xf32>
    %jit3A_837 = arith.constant 0.000000e+00 : f32
    %broadcast_in_dim3A_838 = vector.shape_cast %slice3A_836 : vector<128x1xf32> to vector<128x1xf32>
    %broadcast_in_dim3A_839 = vector.broadcast %broadcast_in_dim3A_838 : vector<128x1xf32> to vector<128x10xf32>
    %broadcast_in_dim3A_840 = vector.broadcast %jit3A_837 : f32 to vector<128x10xf32>
    %select_n3A_841 = arith.select %eq3A_835, %broadcast_in_dim3A_839, %broadcast_in_dim3A_840 : vector<128x10xi1>, vector<128x10xf32>
    %add3A_842 = arith.addf %add3A_832, %select_n3A_841 : vector<128x10xf32>
    %eq3A_843 = arith.constant 5.000000e+00 : f32
    %eq3A_844 = vector.broadcast %eq3A_843 : f32 to vector<128x10xf32>
    %eq3A_845 = arith.cmpf oeq, %dot_general3A_784, %eq3A_844 : vector<128x10xf32>
    %slice3A_846 = vector.extract_strided_slice %select_n3A_773 {offsets = [0, 5], sizes = [128, 1], strides = [1, 1]} : vector<128x10xf32> to vector<128x1xf32>
    %jit3A_847 = arith.constant 0.000000e+00 : f32
    %broadcast_in_dim3A_848 = vector.shape_cast %slice3A_846 : vector<128x1xf32> to vector<128x1xf32>
    %broadcast_in_dim3A_849 = vector.broadcast %broadcast_in_dim3A_848 : vector<128x1xf32> to vector<128x10xf32>
    %broadcast_in_dim3A_850 = vector.broadcast %jit3A_847 : f32 to vector<128x10xf32>
    %select_n3A_851 = arith.select %eq3A_845, %broadcast_in_dim3A_849, %broadcast_in_dim3A_850 : vector<128x10xi1>, vector<128x10xf32>
    %add3A_852 = arith.addf %add3A_842, %select_n3A_851 : vector<128x10xf32>
    %eq3A_853 = arith.constant 6.000000e+00 : f32
    %eq3A_854 = vector.broadcast %eq3A_853 : f32 to vector<128x10xf32>
    %eq3A_855 = arith.cmpf oeq, %dot_general3A_784, %eq3A_854 : vector<128x10xf32>
    %slice3A_856 = vector.extract_strided_slice %select_n3A_773 {offsets = [0, 6], sizes = [128, 1], strides = [1, 1]} : vector<128x10xf32> to vector<128x1xf32>
    %jit3A_857 = arith.constant 0.000000e+00 : f32
    %broadcast_in_dim3A_858 = vector.shape_cast %slice3A_856 : vector<128x1xf32> to vector<128x1xf32>
    %broadcast_in_dim3A_859 = vector.broadcast %broadcast_in_dim3A_858 : vector<128x1xf32> to vector<128x10xf32>
    %broadcast_in_dim3A_860 = vector.broadcast %jit3A_857 : f32 to vector<128x10xf32>
    %select_n3A_861 = arith.select %eq3A_855, %broadcast_in_dim3A_859, %broadcast_in_dim3A_860 : vector<128x10xi1>, vector<128x10xf32>
    %add3A_862 = arith.addf %add3A_852, %select_n3A_861 : vector<128x10xf32>
    %eq3A_863 = arith.constant 7.000000e+00 : f32
    %eq3A_864 = vector.broadcast %eq3A_863 : f32 to vector<128x10xf32>
    %eq3A_865 = arith.cmpf oeq, %dot_general3A_784, %eq3A_864 : vector<128x10xf32>
    %slice3A_866 = vector.extract_strided_slice %select_n3A_773 {offsets = [0, 7], sizes = [128, 1], strides = [1, 1]} : vector<128x10xf32> to vector<128x1xf32>
    %jit3A_867 = arith.constant 0.000000e+00 : f32
    %broadcast_in_dim3A_868 = vector.shape_cast %slice3A_866 : vector<128x1xf32> to vector<128x1xf32>
    %broadcast_in_dim3A_869 = vector.broadcast %broadcast_in_dim3A_868 : vector<128x1xf32> to vector<128x10xf32>
    %broadcast_in_dim3A_870 = vector.broadcast %jit3A_867 : f32 to vector<128x10xf32>
    %select_n3A_871 = arith.select %eq3A_865, %broadcast_in_dim3A_869, %broadcast_in_dim3A_870 : vector<128x10xi1>, vector<128x10xf32>
    %add3A_872 = arith.addf %add3A_862, %select_n3A_871 : vector<128x10xf32>
    %eq3A_873 = arith.constant 8.000000e+00 : f32
    %eq3A_874 = vector.broadcast %eq3A_873 : f32 to vector<128x10xf32>
    %eq3A_875 = arith.cmpf oeq, %dot_general3A_784, %eq3A_874 : vector<128x10xf32>
    %slice3A_876 = vector.extract_strided_slice %select_n3A_773 {offsets = [0, 8], sizes = [128, 1], strides = [1, 1]} : vector<128x10xf32> to vector<128x1xf32>
    %jit3A_877 = arith.constant 0.000000e+00 : f32
    %broadcast_in_dim3A_878 = vector.shape_cast %slice3A_876 : vector<128x1xf32> to vector<128x1xf32>
    %broadcast_in_dim3A_879 = vector.broadcast %broadcast_in_dim3A_878 : vector<128x1xf32> to vector<128x10xf32>
    %broadcast_in_dim3A_880 = vector.broadcast %jit3A_877 : f32 to vector<128x10xf32>
    %select_n3A_881 = arith.select %eq3A_875, %broadcast_in_dim3A_879, %broadcast_in_dim3A_880 : vector<128x10xi1>, vector<128x10xf32>
    %add3A_882 = arith.addf %add3A_872, %select_n3A_881 : vector<128x10xf32>
    %eq3A_883 = arith.constant 9.000000e+00 : f32
    %eq3A_884 = vector.broadcast %eq3A_883 : f32 to vector<128x10xf32>
    %eq3A_885 = arith.cmpf oeq, %dot_general3A_784, %eq3A_884 : vector<128x10xf32>
    %slice3A_886 = vector.extract_strided_slice %select_n3A_773 {offsets = [0, 9], sizes = [128, 1], strides = [1, 1]} : vector<128x10xf32> to vector<128x1xf32>
    %jit3A_887 = arith.constant 0.000000e+00 : f32
    %broadcast_in_dim3A_888 = vector.shape_cast %slice3A_886 : vector<128x1xf32> to vector<128x1xf32>
    %broadcast_in_dim3A_889 = vector.broadcast %broadcast_in_dim3A_888 : vector<128x1xf32> to vector<128x10xf32>
    %broadcast_in_dim3A_890 = vector.broadcast %jit3A_887 : f32 to vector<128x10xf32>
    %select_n3A_891 = arith.select %eq3A_885, %broadcast_in_dim3A_889, %broadcast_in_dim3A_890 : vector<128x10xi1>, vector<128x10xf32>
    %add3A_892 = arith.addf %add3A_882, %select_n3A_891 : vector<128x10xf32>
    %broadcast_in_dim3A_893 = vector.shape_cast %gt3A_790 : vector<128x1xi1> to vector<128x1xi1>
    %broadcast_in_dim3A_894 = vector.broadcast %broadcast_in_dim3A_893 : vector<128x1xi1> to vector<128x10xi1>
    %select_n3A_895 = arith.select %broadcast_in_dim3A_894, %add3A_892, %select_n3A_773 : vector<128x10xi1>, vector<128x10xf32>
    %sub3A_896 = arith.constant 3.200000e+01 : f32
    %sub3A_897 = vector.broadcast %sub3A_896 : f32 to vector<128x1xf32>
    %sub3A_898 = arith.subf %broadcast_in_dim3A_276, %sub3A_897 : vector<128x1xf32>
    %eq3A_899 = vector.broadcast %broadcast_in_dim3A_285 : vector<1x128xf32> to vector<128x128xf32>
    %eq3A_900 = vector.broadcast %sub3A_898 : vector<128x1xf32> to vector<128x128xf32>
    %eq3A_901 = arith.cmpf oeq, %eq3A_899, %eq3A_900 : vector<128x128xf32>
    %jit3A_902 = arith.constant 0.000000e+00 : f32
    %broadcast_in_dim3A_903 = vector.broadcast %jit3A_902 : f32 to vector<128x128xf32>
    %select_n3A_904 = arith.select %eq3A_901, %convert_element_type3A_267, %broadcast_in_dim3A_903 : vector<128x128xi1>, vector<128x128xf32>
    %dot_general3A_905 = arith.constant dense<0.000000e+00> : vector<128x10xf32>
    %dot_general3A_906 = tpu.matmul %select_n3A_904, %select_n3A_895, %dot_general3A_905 {dimension_numbers = #tpu.dot_dimension_numbers<[1], [0], [0], [1], [0, 0, 1, 1], [], []>, transpose_lhs_hint = false} : vector<128x128xf32>, vector<128x10xf32>, vector<128x10xf32> -> vector<128x10xf32>
    %reduce_sum3A_907 = arith.constant dense<0.000000e+00> : vector<128xf32>
    %reduce_sum3A_908 = vector.multi_reduction <add>, %select_n3A_904, %reduce_sum3A_907 [1] : vector<128x128xf32> to vector<128xf32>
    %broadcast_in_dim3A_909 = vector.shape_cast %reduce_sum3A_908 : vector<128xf32> to vector<128x1xf32>
    %gt3A_910 = arith.constant 5.000000e-01 : f32
    %gt3A_911 = vector.broadcast %gt3A_910 : f32 to vector<128x1xf32>
    %gt3A_912 = arith.cmpf ogt, %broadcast_in_dim3A_909, %gt3A_911 : vector<128x1xf32>
    %broadcast_in_dim3A_913 = arith.constant 0.000000e+00 : f32
    %broadcast_in_dim3A_914 = vector.broadcast %broadcast_in_dim3A_913 : f32 to vector<128x10xf32>
    %eq3A_915 = arith.constant 0.000000e+00 : f32
    %eq3A_916 = vector.broadcast %eq3A_915 : f32 to vector<128x10xf32>
    %eq3A_917 = arith.cmpf oeq, %dot_general3A_906, %eq3A_916 : vector<128x10xf32>
    %slice3A_918 = vector.extract_strided_slice %select_n3A_895 {offsets = [0, 0], sizes = [128, 1], strides = [1, 1]} : vector<128x10xf32> to vector<128x1xf32>
    %jit3A_919 = arith.constant 0.000000e+00 : f32
    %broadcast_in_dim3A_920 = vector.shape_cast %slice3A_918 : vector<128x1xf32> to vector<128x1xf32>
    %broadcast_in_dim3A_921 = vector.broadcast %broadcast_in_dim3A_920 : vector<128x1xf32> to vector<128x10xf32>
    %broadcast_in_dim3A_922 = vector.broadcast %jit3A_919 : f32 to vector<128x10xf32>
    %select_n3A_923 = arith.select %eq3A_917, %broadcast_in_dim3A_921, %broadcast_in_dim3A_922 : vector<128x10xi1>, vector<128x10xf32>
    %add3A_924 = arith.addf %broadcast_in_dim3A_914, %select_n3A_923 : vector<128x10xf32>
    %eq3A_925 = arith.constant 1.000000e+00 : f32
    %eq3A_926 = vector.broadcast %eq3A_925 : f32 to vector<128x10xf32>
    %eq3A_927 = arith.cmpf oeq, %dot_general3A_906, %eq3A_926 : vector<128x10xf32>
    %slice3A_928 = vector.extract_strided_slice %select_n3A_895 {offsets = [0, 1], sizes = [128, 1], strides = [1, 1]} : vector<128x10xf32> to vector<128x1xf32>
    %jit3A_929 = arith.constant 0.000000e+00 : f32
    %broadcast_in_dim3A_930 = vector.shape_cast %slice3A_928 : vector<128x1xf32> to vector<128x1xf32>
    %broadcast_in_dim3A_931 = vector.broadcast %broadcast_in_dim3A_930 : vector<128x1xf32> to vector<128x10xf32>
    %broadcast_in_dim3A_932 = vector.broadcast %jit3A_929 : f32 to vector<128x10xf32>
    %select_n3A_933 = arith.select %eq3A_927, %broadcast_in_dim3A_931, %broadcast_in_dim3A_932 : vector<128x10xi1>, vector<128x10xf32>
    %add3A_934 = arith.addf %add3A_924, %select_n3A_933 : vector<128x10xf32>
    %eq3A_935 = arith.constant 2.000000e+00 : f32
    %eq3A_936 = vector.broadcast %eq3A_935 : f32 to vector<128x10xf32>
    %eq3A_937 = arith.cmpf oeq, %dot_general3A_906, %eq3A_936 : vector<128x10xf32>
    %slice3A_938 = vector.extract_strided_slice %select_n3A_895 {offsets = [0, 2], sizes = [128, 1], strides = [1, 1]} : vector<128x10xf32> to vector<128x1xf32>
    %jit3A_939 = arith.constant 0.000000e+00 : f32
    %broadcast_in_dim3A_940 = vector.shape_cast %slice3A_938 : vector<128x1xf32> to vector<128x1xf32>
    %broadcast_in_dim3A_941 = vector.broadcast %broadcast_in_dim3A_940 : vector<128x1xf32> to vector<128x10xf32>
    %broadcast_in_dim3A_942 = vector.broadcast %jit3A_939 : f32 to vector<128x10xf32>
    %select_n3A_943 = arith.select %eq3A_937, %broadcast_in_dim3A_941, %broadcast_in_dim3A_942 : vector<128x10xi1>, vector<128x10xf32>
    %add3A_944 = arith.addf %add3A_934, %select_n3A_943 : vector<128x10xf32>
    %eq3A_945 = arith.constant 3.000000e+00 : f32
    %eq3A_946 = vector.broadcast %eq3A_945 : f32 to vector<128x10xf32>
    %eq3A_947 = arith.cmpf oeq, %dot_general3A_906, %eq3A_946 : vector<128x10xf32>
    %slice3A_948 = vector.extract_strided_slice %select_n3A_895 {offsets = [0, 3], sizes = [128, 1], strides = [1, 1]} : vector<128x10xf32> to vector<128x1xf32>
    %jit3A_949 = arith.constant 0.000000e+00 : f32
    %broadcast_in_dim3A_950 = vector.shape_cast %slice3A_948 : vector<128x1xf32> to vector<128x1xf32>
    %broadcast_in_dim3A_951 = vector.broadcast %broadcast_in_dim3A_950 : vector<128x1xf32> to vector<128x10xf32>
    %broadcast_in_dim3A_952 = vector.broadcast %jit3A_949 : f32 to vector<128x10xf32>
    %select_n3A_953 = arith.select %eq3A_947, %broadcast_in_dim3A_951, %broadcast_in_dim3A_952 : vector<128x10xi1>, vector<128x10xf32>
    %add3A_954 = arith.addf %add3A_944, %select_n3A_953 : vector<128x10xf32>
    %eq3A_955 = arith.constant 4.000000e+00 : f32
    %eq3A_956 = vector.broadcast %eq3A_955 : f32 to vector<128x10xf32>
    %eq3A_957 = arith.cmpf oeq, %dot_general3A_906, %eq3A_956 : vector<128x10xf32>
    %slice3A_958 = vector.extract_strided_slice %select_n3A_895 {offsets = [0, 4], sizes = [128, 1], strides = [1, 1]} : vector<128x10xf32> to vector<128x1xf32>
    %jit3A_959 = arith.constant 0.000000e+00 : f32
    %broadcast_in_dim3A_960 = vector.shape_cast %slice3A_958 : vector<128x1xf32> to vector<128x1xf32>
    %broadcast_in_dim3A_961 = vector.broadcast %broadcast_in_dim3A_960 : vector<128x1xf32> to vector<128x10xf32>
    %broadcast_in_dim3A_962 = vector.broadcast %jit3A_959 : f32 to vector<128x10xf32>
    %select_n3A_963 = arith.select %eq3A_957, %broadcast_in_dim3A_961, %broadcast_in_dim3A_962 : vector<128x10xi1>, vector<128x10xf32>
    %add3A_964 = arith.addf %add3A_954, %select_n3A_963 : vector<128x10xf32>
    %eq3A_965 = arith.constant 5.000000e+00 : f32
    %eq3A_966 = vector.broadcast %eq3A_965 : f32 to vector<128x10xf32>
    %eq3A_967 = arith.cmpf oeq, %dot_general3A_906, %eq3A_966 : vector<128x10xf32>
    %slice3A_968 = vector.extract_strided_slice %select_n3A_895 {offsets = [0, 5], sizes = [128, 1], strides = [1, 1]} : vector<128x10xf32> to vector<128x1xf32>
    %jit3A_969 = arith.constant 0.000000e+00 : f32
    %broadcast_in_dim3A_970 = vector.shape_cast %slice3A_968 : vector<128x1xf32> to vector<128x1xf32>
    %broadcast_in_dim3A_971 = vector.broadcast %broadcast_in_dim3A_970 : vector<128x1xf32> to vector<128x10xf32>
    %broadcast_in_dim3A_972 = vector.broadcast %jit3A_969 : f32 to vector<128x10xf32>
    %select_n3A_973 = arith.select %eq3A_967, %broadcast_in_dim3A_971, %broadcast_in_dim3A_972 : vector<128x10xi1>, vector<128x10xf32>
    %add3A_974 = arith.addf %add3A_964, %select_n3A_973 : vector<128x10xf32>
    %eq3A_975 = arith.constant 6.000000e+00 : f32
    %eq3A_976 = vector.broadcast %eq3A_975 : f32 to vector<128x10xf32>
    %eq3A_977 = arith.cmpf oeq, %dot_general3A_906, %eq3A_976 : vector<128x10xf32>
    %slice3A_978 = vector.extract_strided_slice %select_n3A_895 {offsets = [0, 6], sizes = [128, 1], strides = [1, 1]} : vector<128x10xf32> to vector<128x1xf32>
    %jit3A_979 = arith.constant 0.000000e+00 : f32
    %broadcast_in_dim3A_980 = vector.shape_cast %slice3A_978 : vector<128x1xf32> to vector<128x1xf32>
    %broadcast_in_dim3A_981 = vector.broadcast %broadcast_in_dim3A_980 : vector<128x1xf32> to vector<128x10xf32>
    %broadcast_in_dim3A_982 = vector.broadcast %jit3A_979 : f32 to vector<128x10xf32>
    %select_n3A_983 = arith.select %eq3A_977, %broadcast_in_dim3A_981, %broadcast_in_dim3A_982 : vector<128x10xi1>, vector<128x10xf32>
    %add3A_984 = arith.addf %add3A_974, %select_n3A_983 : vector<128x10xf32>
    %eq3A_985 = arith.constant 7.000000e+00 : f32
    %eq3A_986 = vector.broadcast %eq3A_985 : f32 to vector<128x10xf32>
    %eq3A_987 = arith.cmpf oeq, %dot_general3A_906, %eq3A_986 : vector<128x10xf32>
    %slice3A_988 = vector.extract_strided_slice %select_n3A_895 {offsets = [0, 7], sizes = [128, 1], strides = [1, 1]} : vector<128x10xf32> to vector<128x1xf32>
    %jit3A_989 = arith.constant 0.000000e+00 : f32
    %broadcast_in_dim3A_990 = vector.shape_cast %slice3A_988 : vector<128x1xf32> to vector<128x1xf32>
    %broadcast_in_dim3A_991 = vector.broadcast %broadcast_in_dim3A_990 : vector<128x1xf32> to vector<128x10xf32>
    %broadcast_in_dim3A_992 = vector.broadcast %jit3A_989 : f32 to vector<128x10xf32>
    %select_n3A_993 = arith.select %eq3A_987, %broadcast_in_dim3A_991, %broadcast_in_dim3A_992 : vector<128x10xi1>, vector<128x10xf32>
    %add3A_994 = arith.addf %add3A_984, %select_n3A_993 : vector<128x10xf32>
    %eq3A_995 = arith.constant 8.000000e+00 : f32
    %eq3A_996 = vector.broadcast %eq3A_995 : f32 to vector<128x10xf32>
    %eq3A_997 = arith.cmpf oeq, %dot_general3A_906, %eq3A_996 : vector<128x10xf32>
    %slice3A_998 = vector.extract_strided_slice %select_n3A_895 {offsets = [0, 8], sizes = [128, 1], strides = [1, 1]} : vector<128x10xf32> to vector<128x1xf32>
    %jit3A_999 = arith.constant 0.000000e+00 : f32
    %broadcast_in_dim3A_1000 = vector.shape_cast %slice3A_998 : vector<128x1xf32> to vector<128x1xf32>
    %broadcast_in_dim3A_1001 = vector.broadcast %broadcast_in_dim3A_1000 : vector<128x1xf32> to vector<128x10xf32>
    %broadcast_in_dim3A_1002 = vector.broadcast %jit3A_999 : f32 to vector<128x10xf32>
    %select_n3A_1003 = arith.select %eq3A_997, %broadcast_in_dim3A_1001, %broadcast_in_dim3A_1002 : vector<128x10xi1>, vector<128x10xf32>
    %add3A_1004 = arith.addf %add3A_994, %select_n3A_1003 : vector<128x10xf32>
    %eq3A_1005 = arith.constant 9.000000e+00 : f32
    %eq3A_1006 = vector.broadcast %eq3A_1005 : f32 to vector<128x10xf32>
    %eq3A_1007 = arith.cmpf oeq, %dot_general3A_906, %eq3A_1006 : vector<128x10xf32>
    %slice3A_1008 = vector.extract_strided_slice %select_n3A_895 {offsets = [0, 9], sizes = [128, 1], strides = [1, 1]} : vector<128x10xf32> to vector<128x1xf32>
    %jit3A_1009 = arith.constant 0.000000e+00 : f32
    %broadcast_in_dim3A_1010 = vector.shape_cast %slice3A_1008 : vector<128x1xf32> to vector<128x1xf32>
    %broadcast_in_dim3A_1011 = vector.broadcast %broadcast_in_dim3A_1010 : vector<128x1xf32> to vector<128x10xf32>
    %broadcast_in_dim3A_1012 = vector.broadcast %jit3A_1009 : f32 to vector<128x10xf32>
    %select_n3A_1013 = arith.select %eq3A_1007, %broadcast_in_dim3A_1011, %broadcast_in_dim3A_1012 : vector<128x10xi1>, vector<128x10xf32>
    %add3A_1014 = arith.addf %add3A_1004, %select_n3A_1013 : vector<128x10xf32>
    %broadcast_in_dim3A_1015 = vector.shape_cast %gt3A_912 : vector<128x1xi1> to vector<128x1xi1>
    %broadcast_in_dim3A_1016 = vector.broadcast %broadcast_in_dim3A_1015 : vector<128x1xi1> to vector<128x10xi1>
    %select_n3A_1017 = arith.select %broadcast_in_dim3A_1016, %add3A_1014, %select_n3A_895 : vector<128x10xi1>, vector<128x10xf32>
    %sub3A_1018 = arith.constant 6.400000e+01 : f32
    %sub3A_1019 = vector.broadcast %sub3A_1018 : f32 to vector<128x1xf32>
    %sub3A_1020 = arith.subf %broadcast_in_dim3A_276, %sub3A_1019 : vector<128x1xf32>
    %eq3A_1021 = vector.broadcast %broadcast_in_dim3A_285 : vector<1x128xf32> to vector<128x128xf32>
    %eq3A_1022 = vector.broadcast %sub3A_1020 : vector<128x1xf32> to vector<128x128xf32>
    %eq3A_1023 = arith.cmpf oeq, %eq3A_1021, %eq3A_1022 : vector<128x128xf32>
    %jit3A_1024 = arith.constant 0.000000e+00 : f32
    %broadcast_in_dim3A_1025 = vector.broadcast %jit3A_1024 : f32 to vector<128x128xf32>
    %select_n3A_1026 = arith.select %eq3A_1023, %convert_element_type3A_267, %broadcast_in_dim3A_1025 : vector<128x128xi1>, vector<128x128xf32>
    %dot_general3A_1027 = arith.constant dense<0.000000e+00> : vector<128x10xf32>
    %dot_general3A_1028 = tpu.matmul %select_n3A_1026, %select_n3A_1017, %dot_general3A_1027 {dimension_numbers = #tpu.dot_dimension_numbers<[1], [0], [0], [1], [0, 0, 1, 1], [], []>, transpose_lhs_hint = false} : vector<128x128xf32>, vector<128x10xf32>, vector<128x10xf32> -> vector<128x10xf32>
    %reduce_sum3A_1029 = arith.constant dense<0.000000e+00> : vector<128xf32>
    %reduce_sum3A_1030 = vector.multi_reduction <add>, %select_n3A_1026, %reduce_sum3A_1029 [1] : vector<128x128xf32> to vector<128xf32>
    %broadcast_in_dim3A_1031 = vector.shape_cast %reduce_sum3A_1030 : vector<128xf32> to vector<128x1xf32>
    %gt3A_1032 = arith.constant 5.000000e-01 : f32
    %gt3A_1033 = vector.broadcast %gt3A_1032 : f32 to vector<128x1xf32>
    %gt3A_1034 = arith.cmpf ogt, %broadcast_in_dim3A_1031, %gt3A_1033 : vector<128x1xf32>
    %broadcast_in_dim3A_1035 = arith.constant 0.000000e+00 : f32
    %broadcast_in_dim3A_1036 = vector.broadcast %broadcast_in_dim3A_1035 : f32 to vector<128x10xf32>
    %eq3A_1037 = arith.constant 0.000000e+00 : f32
    %eq3A_1038 = vector.broadcast %eq3A_1037 : f32 to vector<128x10xf32>
    %eq3A_1039 = arith.cmpf oeq, %dot_general3A_1028, %eq3A_1038 : vector<128x10xf32>
    %slice3A_1040 = vector.extract_strided_slice %select_n3A_1017 {offsets = [0, 0], sizes = [128, 1], strides = [1, 1]} : vector<128x10xf32> to vector<128x1xf32>
    %jit3A_1041 = arith.constant 0.000000e+00 : f32
    %broadcast_in_dim3A_1042 = vector.shape_cast %slice3A_1040 : vector<128x1xf32> to vector<128x1xf32>
    %broadcast_in_dim3A_1043 = vector.broadcast %broadcast_in_dim3A_1042 : vector<128x1xf32> to vector<128x10xf32>
    %broadcast_in_dim3A_1044 = vector.broadcast %jit3A_1041 : f32 to vector<128x10xf32>
    %select_n3A_1045 = arith.select %eq3A_1039, %broadcast_in_dim3A_1043, %broadcast_in_dim3A_1044 : vector<128x10xi1>, vector<128x10xf32>
    %add3A_1046 = arith.addf %broadcast_in_dim3A_1036, %select_n3A_1045 : vector<128x10xf32>
    %eq3A_1047 = arith.constant 1.000000e+00 : f32
    %eq3A_1048 = vector.broadcast %eq3A_1047 : f32 to vector<128x10xf32>
    %eq3A_1049 = arith.cmpf oeq, %dot_general3A_1028, %eq3A_1048 : vector<128x10xf32>
    %slice3A_1050 = vector.extract_strided_slice %select_n3A_1017 {offsets = [0, 1], sizes = [128, 1], strides = [1, 1]} : vector<128x10xf32> to vector<128x1xf32>
    %jit3A_1051 = arith.constant 0.000000e+00 : f32
    %broadcast_in_dim3A_1052 = vector.shape_cast %slice3A_1050 : vector<128x1xf32> to vector<128x1xf32>
    %broadcast_in_dim3A_1053 = vector.broadcast %broadcast_in_dim3A_1052 : vector<128x1xf32> to vector<128x10xf32>
    %broadcast_in_dim3A_1054 = vector.broadcast %jit3A_1051 : f32 to vector<128x10xf32>
    %select_n3A_1055 = arith.select %eq3A_1049, %broadcast_in_dim3A_1053, %broadcast_in_dim3A_1054 : vector<128x10xi1>, vector<128x10xf32>
    %add3A_1056 = arith.addf %add3A_1046, %select_n3A_1055 : vector<128x10xf32>
    %eq3A_1057 = arith.constant 2.000000e+00 : f32
    %eq3A_1058 = vector.broadcast %eq3A_1057 : f32 to vector<128x10xf32>
    %eq3A_1059 = arith.cmpf oeq, %dot_general3A_1028, %eq3A_1058 : vector<128x10xf32>
    %slice3A_1060 = vector.extract_strided_slice %select_n3A_1017 {offsets = [0, 2], sizes = [128, 1], strides = [1, 1]} : vector<128x10xf32> to vector<128x1xf32>
    %jit3A_1061 = arith.constant 0.000000e+00 : f32
    %broadcast_in_dim3A_1062 = vector.shape_cast %slice3A_1060 : vector<128x1xf32> to vector<128x1xf32>
    %broadcast_in_dim3A_1063 = vector.broadcast %broadcast_in_dim3A_1062 : vector<128x1xf32> to vector<128x10xf32>
    %broadcast_in_dim3A_1064 = vector.broadcast %jit3A_1061 : f32 to vector<128x10xf32>
    %select_n3A_1065 = arith.select %eq3A_1059, %broadcast_in_dim3A_1063, %broadcast_in_dim3A_1064 : vector<128x10xi1>, vector<128x10xf32>
    %add3A_1066 = arith.addf %add3A_1056, %select_n3A_1065 : vector<128x10xf32>
    %eq3A_1067 = arith.constant 3.000000e+00 : f32
    %eq3A_1068 = vector.broadcast %eq3A_1067 : f32 to vector<128x10xf32>
    %eq3A_1069 = arith.cmpf oeq, %dot_general3A_1028, %eq3A_1068 : vector<128x10xf32>
    %slice3A_1070 = vector.extract_strided_slice %select_n3A_1017 {offsets = [0, 3], sizes = [128, 1], strides = [1, 1]} : vector<128x10xf32> to vector<128x1xf32>
    %jit3A_1071 = arith.constant 0.000000e+00 : f32
    %broadcast_in_dim3A_1072 = vector.shape_cast %slice3A_1070 : vector<128x1xf32> to vector<128x1xf32>
    %broadcast_in_dim3A_1073 = vector.broadcast %broadcast_in_dim3A_1072 : vector<128x1xf32> to vector<128x10xf32>
    %broadcast_in_dim3A_1074 = vector.broadcast %jit3A_1071 : f32 to vector<128x10xf32>
    %select_n3A_1075 = arith.select %eq3A_1069, %broadcast_in_dim3A_1073, %broadcast_in_dim3A_1074 : vector<128x10xi1>, vector<128x10xf32>
    %add3A_1076 = arith.addf %add3A_1066, %select_n3A_1075 : vector<128x10xf32>
    %eq3A_1077 = arith.constant 4.000000e+00 : f32
    %eq3A_1078 = vector.broadcast %eq3A_1077 : f32 to vector<128x10xf32>
    %eq3A_1079 = arith.cmpf oeq, %dot_general3A_1028, %eq3A_1078 : vector<128x10xf32>
    %slice3A_1080 = vector.extract_strided_slice %select_n3A_1017 {offsets = [0, 4], sizes = [128, 1], strides = [1, 1]} : vector<128x10xf32> to vector<128x1xf32>
    %jit3A_1081 = arith.constant 0.000000e+00 : f32
    %broadcast_in_dim3A_1082 = vector.shape_cast %slice3A_1080 : vector<128x1xf32> to vector<128x1xf32>
    %broadcast_in_dim3A_1083 = vector.broadcast %broadcast_in_dim3A_1082 : vector<128x1xf32> to vector<128x10xf32>
    %broadcast_in_dim3A_1084 = vector.broadcast %jit3A_1081 : f32 to vector<128x10xf32>
    %select_n3A_1085 = arith.select %eq3A_1079, %broadcast_in_dim3A_1083, %broadcast_in_dim3A_1084 : vector<128x10xi1>, vector<128x10xf32>
    %add3A_1086 = arith.addf %add3A_1076, %select_n3A_1085 : vector<128x10xf32>
    %eq3A_1087 = arith.constant 5.000000e+00 : f32
    %eq3A_1088 = vector.broadcast %eq3A_1087 : f32 to vector<128x10xf32>
    %eq3A_1089 = arith.cmpf oeq, %dot_general3A_1028, %eq3A_1088 : vector<128x10xf32>
    %slice3A_1090 = vector.extract_strided_slice %select_n3A_1017 {offsets = [0, 5], sizes = [128, 1], strides = [1, 1]} : vector<128x10xf32> to vector<128x1xf32>
    %jit3A_1091 = arith.constant 0.000000e+00 : f32
    %broadcast_in_dim3A_1092 = vector.shape_cast %slice3A_1090 : vector<128x1xf32> to vector<128x1xf32>
    %broadcast_in_dim3A_1093 = vector.broadcast %broadcast_in_dim3A_1092 : vector<128x1xf32> to vector<128x10xf32>
    %broadcast_in_dim3A_1094 = vector.broadcast %jit3A_1091 : f32 to vector<128x10xf32>
    %select_n3A_1095 = arith.select %eq3A_1089, %broadcast_in_dim3A_1093, %broadcast_in_dim3A_1094 : vector<128x10xi1>, vector<128x10xf32>
    %add3A_1096 = arith.addf %add3A_1086, %select_n3A_1095 : vector<128x10xf32>
    %eq3A_1097 = arith.constant 6.000000e+00 : f32
    %eq3A_1098 = vector.broadcast %eq3A_1097 : f32 to vector<128x10xf32>
    %eq3A_1099 = arith.cmpf oeq, %dot_general3A_1028, %eq3A_1098 : vector<128x10xf32>
    %slice3A_1100 = vector.extract_strided_slice %select_n3A_1017 {offsets = [0, 6], sizes = [128, 1], strides = [1, 1]} : vector<128x10xf32> to vector<128x1xf32>
    %jit3A_1101 = arith.constant 0.000000e+00 : f32
    %broadcast_in_dim3A_1102 = vector.shape_cast %slice3A_1100 : vector<128x1xf32> to vector<128x1xf32>
    %broadcast_in_dim3A_1103 = vector.broadcast %broadcast_in_dim3A_1102 : vector<128x1xf32> to vector<128x10xf32>
    %broadcast_in_dim3A_1104 = vector.broadcast %jit3A_1101 : f32 to vector<128x10xf32>
    %select_n3A_1105 = arith.select %eq3A_1099, %broadcast_in_dim3A_1103, %broadcast_in_dim3A_1104 : vector<128x10xi1>, vector<128x10xf32>
    %add3A_1106 = arith.addf %add3A_1096, %select_n3A_1105 : vector<128x10xf32>
    %eq3A_1107 = arith.constant 7.000000e+00 : f32
    %eq3A_1108 = vector.broadcast %eq3A_1107 : f32 to vector<128x10xf32>
    %eq3A_1109 = arith.cmpf oeq, %dot_general3A_1028, %eq3A_1108 : vector<128x10xf32>
    %slice3A_1110 = vector.extract_strided_slice %select_n3A_1017 {offsets = [0, 7], sizes = [128, 1], strides = [1, 1]} : vector<128x10xf32> to vector<128x1xf32>
    %jit3A_1111 = arith.constant 0.000000e+00 : f32
    %broadcast_in_dim3A_1112 = vector.shape_cast %slice3A_1110 : vector<128x1xf32> to vector<128x1xf32>
    %broadcast_in_dim3A_1113 = vector.broadcast %broadcast_in_dim3A_1112 : vector<128x1xf32> to vector<128x10xf32>
    %broadcast_in_dim3A_1114 = vector.broadcast %jit3A_1111 : f32 to vector<128x10xf32>
    %select_n3A_1115 = arith.select %eq3A_1109, %broadcast_in_dim3A_1113, %broadcast_in_dim3A_1114 : vector<128x10xi1>, vector<128x10xf32>
    %add3A_1116 = arith.addf %add3A_1106, %select_n3A_1115 : vector<128x10xf32>
    %eq3A_1117 = arith.constant 8.000000e+00 : f32
    %eq3A_1118 = vector.broadcast %eq3A_1117 : f32 to vector<128x10xf32>
    %eq3A_1119 = arith.cmpf oeq, %dot_general3A_1028, %eq3A_1118 : vector<128x10xf32>
    %slice3A_1120 = vector.extract_strided_slice %select_n3A_1017 {offsets = [0, 8], sizes = [128, 1], strides = [1, 1]} : vector<128x10xf32> to vector<128x1xf32>
    %jit3A_1121 = arith.constant 0.000000e+00 : f32
    %broadcast_in_dim3A_1122 = vector.shape_cast %slice3A_1120 : vector<128x1xf32> to vector<128x1xf32>
    %broadcast_in_dim3A_1123 = vector.broadcast %broadcast_in_dim3A_1122 : vector<128x1xf32> to vector<128x10xf32>
    %broadcast_in_dim3A_1124 = vector.broadcast %jit3A_1121 : f32 to vector<128x10xf32>
    %select_n3A_1125 = arith.select %eq3A_1119, %broadcast_in_dim3A_1123, %broadcast_in_dim3A_1124 : vector<128x10xi1>, vector<128x10xf32>
    %add3A_1126 = arith.addf %add3A_1116, %select_n3A_1125 : vector<128x10xf32>
    %eq3A_1127 = arith.constant 9.000000e+00 : f32
    %eq3A_1128 = vector.broadcast %eq3A_1127 : f32 to vector<128x10xf32>
    %eq3A_1129 = arith.cmpf oeq, %dot_general3A_1028, %eq3A_1128 : vector<128x10xf32>
    %slice3A_1130 = vector.extract_strided_slice %select_n3A_1017 {offsets = [0, 9], sizes = [128, 1], strides = [1, 1]} : vector<128x10xf32> to vector<128x1xf32>
    %jit3A_1131 = arith.constant 0.000000e+00 : f32
    %broadcast_in_dim3A_1132 = vector.shape_cast %slice3A_1130 : vector<128x1xf32> to vector<128x1xf32>
    %broadcast_in_dim3A_1133 = vector.broadcast %broadcast_in_dim3A_1132 : vector<128x1xf32> to vector<128x10xf32>
    %broadcast_in_dim3A_1134 = vector.broadcast %jit3A_1131 : f32 to vector<128x10xf32>
    %select_n3A_1135 = arith.select %eq3A_1129, %broadcast_in_dim3A_1133, %broadcast_in_dim3A_1134 : vector<128x10xi1>, vector<128x10xf32>
    %add3A_1136 = arith.addf %add3A_1126, %select_n3A_1135 : vector<128x10xf32>
    %broadcast_in_dim3A_1137 = vector.shape_cast %gt3A_1034 : vector<128x1xi1> to vector<128x1xi1>
    %broadcast_in_dim3A_1138 = vector.broadcast %broadcast_in_dim3A_1137 : vector<128x1xi1> to vector<128x10xi1>
    %select_n3A_1139 = arith.select %broadcast_in_dim3A_1138, %add3A_1136, %select_n3A_1017 : vector<128x10xi1>, vector<128x10xf32>
    %sub3A_1140 = arith.constant 1.000000e+00 : f32
    %sub3A_1141 = vector.broadcast %sub3A_1140 : f32 to vector<128x1xf32>
    %sub3A_1142 = arith.subf %broadcast_in_dim3A_276, %sub3A_1141 : vector<128x1xf32>
    %eq3A_1143 = vector.broadcast %broadcast_in_dim3A_285 : vector<1x128xf32> to vector<128x128xf32>
    %eq3A_1144 = vector.broadcast %sub3A_1142 : vector<128x1xf32> to vector<128x128xf32>
    %eq3A_1145 = arith.cmpf oeq, %eq3A_1143, %eq3A_1144 : vector<128x128xf32>
    %jit3A_1146 = arith.constant 0.000000e+00 : f32
    %broadcast_in_dim3A_1147 = vector.broadcast %jit3A_1146 : f32 to vector<128x128xf32>
    %select_n3A_1148 = arith.select %eq3A_1145, %convert_element_type3A_267, %broadcast_in_dim3A_1147 : vector<128x128xi1>, vector<128x128xf32>
    %dot_general3A_1149 = arith.constant dense<0.000000e+00> : vector<128x10xf32>
    %dot_general3A_1150 = tpu.matmul %select_n3A_1148, %select_n3A_1139, %dot_general3A_1149 {dimension_numbers = #tpu.dot_dimension_numbers<[1], [0], [0], [1], [0, 0, 1, 1], [], []>, transpose_lhs_hint = false} : vector<128x128xf32>, vector<128x10xf32>, vector<128x10xf32> -> vector<128x10xf32>
    %gt3A_1151 = arith.constant 5.000000e-01 : f32
    %gt3A_1152 = vector.broadcast %gt3A_1151 : f32 to vector<128x1xf32>
    %gt3A_1153 = arith.cmpf ogt, %broadcast_in_dim3A_276, %gt3A_1152 : vector<128x1xf32>
    %slice3A_1154 = vector.extract_strided_slice %dot_general3A_1150 {offsets = [0, 0], sizes = [128, 1], strides = [1, 1]} : vector<128x10xf32> to vector<128x1xf32>
    %jit3A_1155 = arith.constant 0.000000e+00 : f32
    %broadcast_in_dim3A_1156 = vector.broadcast %jit3A_1155 : f32 to vector<128x1xf32>
    %select_n3A_1157 = arith.select %gt3A_1153, %slice3A_1154, %broadcast_in_dim3A_1156 : vector<128x1xi1>, vector<128x1xf32>
    %convert_element_type3A_1158 = arith.fptosi %select_n3A_1157 : vector<128x1xf32> to vector<128x1xi32>
    %add3A_1159 = arith.constant 1 : i32
    %add3A_1160 = vector.broadcast %add3A_1159 : i32 to vector<128x1xi32>
    %add3A_1161 = arith.addi %convert_element_type3A_1158, %add3A_1160 : vector<128x1xi32>
    %sub3A_1162 = arith.constant 1 : i32
    %sub3A_1163 = vector.broadcast %sub3A_1162 : i32 to vector<128x1xi32>
    %sub3A_1164 = arith.subi %add3A_1161, %sub3A_1163 : vector<128x1xi32>
    %eq3A_1165 = vector.broadcast %sub3A_1164 : vector<128x1xi32> to vector<128x10xi32>
    %eq3A_1166 = arith.cmpi eq, %iota3A_247, %eq3A_1165 : vector<128x10xi32>
    %jit3A_1167 = arith.constant 0.000000e+00 : f32
    %broadcast_in_dim3A_1168 = vector.broadcast %jit3A_1167 : f32 to vector<128x10xf32>
    %select_n3A_1169 = arith.select %eq3A_1166, %convert_element_type3A_256, %broadcast_in_dim3A_1168 : vector<128x10xi1>, vector<128x10xf32>
    %reduce_sum3A_1170 = arith.constant dense<0.000000e+00> : vector<128xf32>
    %reduce_sum3A_1171 = vector.multi_reduction <add>, %select_n3A_1169, %reduce_sum3A_1170 [1] : vector<128x10xf32> to vector<128xf32>
    %broadcast_in_dim3A_1172 = vector.shape_cast %reduce_sum3A_1171 : vector<128xf32> to vector<128x1xf32>
    %sub3A_1173 = arith.constant 1 : i32
    %sub3A_1174 = vector.broadcast %sub3A_1173 : i32 to vector<128x1xi32>
    %sub3A_1175 = arith.subi %add3A_1161, %sub3A_1174 : vector<128x1xi32>
    %eq3A_1176 = vector.broadcast %sub3A_1175 : vector<128x1xi32> to vector<128x10xi32>
    %eq3A_1177 = arith.cmpi eq, %iota3A_247, %eq3A_1176 : vector<128x10xi32>
    %jit3A_1178 = arith.constant 0.000000e+00 : f32
    %broadcast_in_dim3A_1179 = vector.broadcast %jit3A_1178 : f32 to vector<128x10xf32>
    %select_n3A_1180 = arith.select %eq3A_1177, %concatenate3A_246, %broadcast_in_dim3A_1179 : vector<128x10xi1>, vector<128x10xf32>
    %reduce_sum3A_1181 = arith.constant dense<0.000000e+00> : vector<128xf32>
    %reduce_sum3A_1182 = vector.multi_reduction <add>, %select_n3A_1180, %reduce_sum3A_1181 [1] : vector<128x10xf32> to vector<128xf32>
    %broadcast_in_dim3A_1183 = vector.shape_cast %reduce_sum3A_1182 : vector<128xf32> to vector<128x1xf32>
    %dot_general3A_1184 = arith.constant dense<0.000000e+00> : vector<128x1xf32>
    %dot_general3A_1185 = tpu.matmul %convert_element_type3A_267, %broadcast_in_dim3A_1183, %dot_general3A_1184 {dimension_numbers = #tpu.dot_dimension_numbers<[1], [0], [0], [1], [0, 0, 1, 1], [], []>, precision = #tpu.contract_precision<fp32>, transpose_lhs_hint = false} : vector<128x128xf32>, vector<128x1xf32>, vector<128x1xf32> -> vector<128x1xf32>
    %eq3A_1186 = arith.constant 0.000000e+00 : f32
    %eq3A_1187 = vector.broadcast %eq3A_1186 : f32 to vector<128x1xf32>
    %eq3A_1188 = arith.cmpf oeq, %broadcast_in_dim3A_276, %eq3A_1187 : vector<128x1xf32>
    %convert_element_type3A_1189 = arith.extui %eq3A_1188 : vector<128x1xi1> to vector<128x1xi32>
    %convert_element_type3A_1190 = arith.sitofp %convert_element_type3A_1189 : vector<128x1xi32> to vector<128x1xf32>
    %reduce_sum3A_1191 = vector.shape_cast %convert_element_type3A_1190 : vector<128x1xf32> to vector<1x128x1xf32>
    %reduce_sum3A_1192 = arith.constant dense<0.000000e+00> : vector<1xf32>
    %reduce_sum3A_1193 = vector.multi_reduction <add>, %reduce_sum3A_1191, %reduce_sum3A_1192 [1, 2] : vector<1x128x1xf32> to vector<1xf32>
    %reduce_sum3A_1194 = vector.shape_cast %reduce_sum3A_1193 : vector<1xf32> to vector<1x1x1xf32>
    %reduce_sum3A_1195 = vector.extract %reduce_sum3A_1194[0, 0, 0] : f32 from vector<1x1x1xf32>
    %log1p3A = math.log1p %dot_general3A_1185 : vector<128x1xf32>
    %jit3A_1196 = arith.constant 0.000000e+00 : f32
    %broadcast_in_dim3A_1197 = vector.broadcast %jit3A_1196 : f32 to vector<128x1xf32>
    %select_n3A_1198 = arith.select %eq3A_1188, %log1p3A, %broadcast_in_dim3A_1197 : vector<128x1xi1>, vector<128x1xf32>
    %reduce_sum3A_1199 = vector.shape_cast %select_n3A_1198 : vector<128x1xf32> to vector<1x128x1xf32>
    %reduce_sum3A_1200 = arith.constant dense<0.000000e+00> : vector<1xf32>
    %reduce_sum3A_1201 = vector.multi_reduction <add>, %reduce_sum3A_1199, %reduce_sum3A_1200 [1, 2] : vector<1x128x1xf32> to vector<1xf32>
    %reduce_sum3A_1202 = vector.shape_cast %reduce_sum3A_1201 : vector<1xf32> to vector<1x1x1xf32>
    %reduce_sum3A_1203 = vector.extract %reduce_sum3A_1202[0, 0, 0] : f32 from vector<1x1x1xf32>
    %div3A_1204 = arith.divf %reduce_sum3A_1203, %reduce_sum3A_1195 : f32
    %iota3A_1205 = tpu.iota {dimensions = array<i32: 1>} : vector<128x10000xi32>
    %eq3A_1206 = vector.broadcast %get3A_259 : vector<128x1xi32> to vector<128x10000xi32>
    %eq3A_1207 = arith.cmpi eq, %eq3A_1206, %iota3A_1205 : vector<128x10000xi32>
    %convert_element_type3A_1208 = arith.extui %eq3A_1207 : vector<128x10000xi1> to vector<128x10000xi32>
    %convert_element_type3A_1209 = arith.sitofp %convert_element_type3A_1208 : vector<128x10000xi32> to vector<128x10000xf32>
    %dot_general3A_1210 = arith.constant dense<0.000000e+00> : vector<1x10000xf32>
    %dot_general3A_1211 = tpu.matmul %broadcast_in_dim3A_1172, %convert_element_type3A_1209, %dot_general3A_1210 {dimension_numbers = #tpu.dot_dimension_numbers<[0], [0], [1], [1], [0, 1, 1, 1], [], []>, transpose_lhs_hint = false} : vector<128x1xf32>, vector<128x10000xf32>, vector<1x10000xf32> -> vector<1x10000xf32>
    %dot_general3A_1212 = arith.constant dense<0.000000e+00> : vector<10x10000xf32>
    %dot_general3A_1213 = tpu.matmul %exp3A_207, %convert_element_type3A_1209, %dot_general3A_1212 {dimension_numbers = #tpu.dot_dimension_numbers<[0], [0], [1], [1], [0, 1, 1, 1], [], []>, transpose_lhs_hint = false} : vector<128x10xf32>, vector<128x10000xf32>, vector<10x10000xf32> -> vector<10x10000xf32>
    %get3A_1214 = arith.constant 0 : index
    %get3A_1215 = arith.constant 0 : index
    %get3A_1216 = vector.load %arg5[%get3A_1214, %get3A_1215] : memref<10x10000xf32, #tpu.memory_space<vmem>>, vector<10x10000xf32>
    %convert_element_type3A_1217 = arith.fptosi %dot_general3A_1211 : vector<1x10000xf32> to vector<1x10000xi32>
    %add3A_1218 = arith.constant 1 : i32
    %add3A_1219 = vector.broadcast %add3A_1218 : i32 to vector<1x10000xi32>
    %add3A_1220 = arith.addi %add3A_1219, %convert_element_type3A_1217 : vector<1x10000xi32>
    %iota3A_1221 = tpu.iota {dimensions = array<i32: 0>} : vector<10x10000xi32>
    %lt3A_1222 = vector.broadcast %add3A_1220 : vector<1x10000xi32> to vector<10x10000xi32>
    %lt3A_1223 = arith.cmpi slt, %iota3A_1221, %lt3A_1222 : vector<10x10000xi32>
    %sub3A_1224 = arith.subf %get3A_1216, %dot_general3A_1213 : vector<10x10000xf32>
    %jit3A_1225 = arith.constant 0.000000e+00 : f32
    %broadcast_in_dim3A_1226 = vector.broadcast %jit3A_1225 : f32 to vector<10x10000xf32>
    %select_n3A_1227 = arith.select %lt3A_1223, %sub3A_1224, %broadcast_in_dim3A_1226 : vector<10x10000xi1>, vector<10x10000xf32>
    %reduce_sum3A_1228 = arith.constant dense<0.000000e+00> : vector<10000xf32>
    %reduce_sum3A_1229 = vector.multi_reduction <add>, %select_n3A_1227, %reduce_sum3A_1228 [0] : vector<10x10000xf32> to vector<10000xf32>
    %broadcast_in_dim3A_1230 = vector.shape_cast %reduce_sum3A_1229 : vector<10000xf32> to vector<1x10000xf32>
    %max3A_1231 = arith.constant 0.000000e+00 : f32
    %max3A_1232 = vector.broadcast %max3A_1231 : f32 to vector<1x10000xf32>
    %max3A_1233 = arith.maximumf %broadcast_in_dim3A_1230, %max3A_1232 : vector<1x10000xf32>
    %log1p3A_1234 = math.log1p %max3A_1233 : vector<1x10000xf32>
    %reduce_sum3A_1235 = vector.shape_cast %log1p3A_1234 : vector<1x10000xf32> to vector<1x1x10000xf32>
    %reduce_sum3A_1236 = arith.constant dense<0.000000e+00> : vector<1xf32>
    %reduce_sum3A_1237 = vector.multi_reduction <add>, %reduce_sum3A_1235, %reduce_sum3A_1236 [1, 2] : vector<1x1x10000xf32> to vector<1xf32>
    %reduce_sum3A_1238 = vector.shape_cast %reduce_sum3A_1237 : vector<1xf32> to vector<1x1x1xf32>
    %reduce_sum3A_1239 = vector.extract %reduce_sum3A_1238[0, 0, 0] : f32 from vector<1x1x1xf32>
    %div3A_1240 = arith.constant 1.000000e+04 : f32
    %div3A_1241 = arith.divf %reduce_sum3A_1239, %div3A_1240 : f32
    %add3A_1242 = arith.addf %div3A_1204, %div3A_1241 : f32
    %swap3A = arith.constant 0 : index
    %swap3A_1243 = arith.constant 0 : index
    %swap3A_1244 = memref.load %arg6[%swap3A, %swap3A_1243] : memref<1x1xf32, #tpu.memory_space<smem>>
    memref.store %add3A_1242, %arg6[%swap3A, %swap3A_1243] : memref<1x1xf32, #tpu.memory_space<smem>>
    %mul3A_1245 = arith.constant 10000 : i32
    %mul3A_1246 = vector.broadcast %mul3A_1245 : i32 to vector<128x1xi32>
    %mul3A_1247 = arith.muli %mul3A_1246, %add3A_1161 : vector<128x1xi32>
    %add3A_1248 = arith.addi %get3A_259, %mul3A_1247 : vector<128x1xi32>
    %iota3A_1249 = tpu.iota {dimensions = array<i32: 0>} : vector<128x1xi32>
    %reduce_sum3A_1250 = vector.shape_cast %broadcast_in_dim3A_1172 : vector<128x1xf32> to vector<1x128x1xf32>
    %reduce_sum3A_1251 = arith.constant dense<0.000000e+00> : vector<1xf32>
    %reduce_sum3A_1252 = vector.multi_reduction <add>, %reduce_sum3A_1250, %reduce_sum3A_1251 [1, 2] : vector<1x128x1xf32> to vector<1xf32>
    %reduce_sum3A_1253 = vector.shape_cast %reduce_sum3A_1252 : vector<1xf32> to vector<1x1x1xf32>
    %reduce_sum3A_1254 = vector.extract %reduce_sum3A_1253[0, 0, 0] : f32 from vector<1x1x1xf32>
    %gt3A_1255 = arith.constant 5.000000e-01 : f32
    %gt3A_1256 = arith.cmpf ogt, %reduce_sum3A_1254, %gt3A_1255 : f32
    %jit3A_1257 = arith.constant 128 : i32
    %jit3A_1258 = arith.constant 0 : i32
    %select_n3A_1259 = arith.select %gt3A_1256, %jit3A_1257, %jit3A_1258 : i32
    %while3A = arith.constant 0 : i32
    %while3A_1260 = arith.constant 0 : i32
    %while3A_1261 = arith.subi %select_n3A_1259, %while3A : i32
    %while3A_1262 = arith.addi %while3A, %while3A_1261 : i32
    %while3A_1263 = arith.constant 1 : i32
    %while3A_1264 = arith.divsi %while3A_1261, %while3A_1263 : i32
    %while3A_1265 = arith.muli %while3A_1264, %while3A_1263 : i32
    %while3A_1266 = arith.addi %while3A, %while3A_1265 : i32
    %while3A_1267 = arith.constant 1 : i32
    %while3A_1268 = scf.for %while3A_1271 = %while3A to %while3A_1266 step %while3A_1267 iter_args(%while3A_1272 = %while3A_1260) -> (i32)  : i32 {
      %eq3A_1273 = vector.broadcast %while3A_1271 : i32 to vector<128x1xi32>
      %eq3A_1274 = arith.cmpi eq, %iota3A_1249, %eq3A_1273 : vector<128x1xi32>
      %jit3A_1275 = arith.constant 0.000000e+00 : f32
      %broadcast_in_dim3A_1276 = vector.broadcast %jit3A_1275 : f32 to vector<128x1xf32>
      %select_n3A_1277 = arith.select %eq3A_1274, %broadcast_in_dim3A_1172, %broadcast_in_dim3A_1276 : vector<128x1xi1>, vector<128x1xf32>
      %reduce_sum3A_1278 = vector.shape_cast %select_n3A_1277 : vector<128x1xf32> to vector<1x128x1xf32>
      %reduce_sum3A_1279 = arith.constant dense<0.000000e+00> : vector<1xf32>
      %reduce_sum3A_1280 = vector.multi_reduction <add>, %reduce_sum3A_1278, %reduce_sum3A_1279 [1, 2] : vector<1x128x1xf32> to vector<1xf32>
      %reduce_sum3A_1281 = vector.shape_cast %reduce_sum3A_1280 : vector<1xf32> to vector<1x1x1xf32>
      %reduce_sum3A_1282 = vector.extract %reduce_sum3A_1281[0, 0, 0] : f32 from vector<1x1x1xf32>
      %jit3A_1283 = arith.constant 0 : i32
      %broadcast_in_dim3A_1284 = vector.broadcast %jit3A_1283 : i32 to vector<128x1xi32>
      %select_n3A_1285 = arith.select %eq3A_1274, %add3A_1248, %broadcast_in_dim3A_1284 : vector<128x1xi1>, vector<128x1xi32>
      %reduce_sum3A_1286 = vector.shape_cast %select_n3A_1285 : vector<128x1xi32> to vector<1x128x1xi32>
      %reduce_sum3A_1287 = arith.constant dense<0> : vector<1xi32>
      %reduce_sum3A_1288 = vector.multi_reduction <add>, %reduce_sum3A_1286, %reduce_sum3A_1287 [1, 2] : vector<1x128x1xi32> to vector<1xi32>
      %reduce_sum3A_1289 = vector.shape_cast %reduce_sum3A_1288 : vector<1xi32> to vector<1x1x1xi32>
      %reduce_sum3A_1290 = vector.extract %reduce_sum3A_1289[0, 0, 0] : i32 from vector<1x1x1xi32>
      %gt3A_1291 = arith.constant 5.000000e-01 : f32
      %gt3A_1292 = arith.cmpf ogt, %reduce_sum3A_1282, %gt3A_1291 : f32
      %convert_element_type3A_1293 = arith.extui %gt3A_1292 : i1 to i32
      %cond3A = arith.constant 0 : i32
      %cond3A_1294 = arith.cmpi ne, %convert_element_type3A_1293, %cond3A : i32
      scf.if %cond3A_1294 {
        %dma_start3A = arith.constant 0 : i32
        %dma_start3A_1296 = tpu.memref_slice %arg7[%reduce_sum3A_1290, %dma_start3A] : memref<100000x128xf32, #tpu.memory_space<any>> -> memref<1x128xf32, #tpu.memory_space<any>>
        %dma_start3A_1297 = tpu.memref_squeeze %dma_start3A_1296 : memref<1x128xf32, #tpu.memory_space<any>> -> memref<128xf32, #tpu.memory_space<any>>
        %dma_start3A_1298 = arith.constant 0 : i32
        %dma_start3A_1299 = tpu.memref_slice %arg1[%while3A_1271, %dma_start3A_1298] : memref<128x128xf32, #tpu.memory_space<vmem>> -> memref<1x128xf32, #tpu.memory_space<vmem>>
        %dma_start3A_1300 = tpu.memref_squeeze %dma_start3A_1299 : memref<1x128xf32, #tpu.memory_space<vmem>> -> memref<128xf32, #tpu.memory_space<vmem>>
        tpu.enqueue_dma source(%dma_start3A_1300 : memref<128xf32, #tpu.memory_space<vmem>>) target(%dma_start3A_1297 : memref<128xf32, #tpu.memory_space<any>>) target_semaphore(%arg8 : memref<!tpu.dma_semaphore, #tpu.memory_space<semaphore_mem>>)
        %dma_wait3A = arith.constant 0 : i32
        %dma_wait3A_1301 = tpu.memref_slice %arg7[%reduce_sum3A_1290, %dma_wait3A] : memref<100000x128xf32, #tpu.memory_space<any>> -> memref<1x128xf32, #tpu.memory_space<any>>
        %dma_wait3A_1302 = tpu.memref_squeeze %dma_wait3A_1301 : memref<1x128xf32, #tpu.memory_space<any>> -> memref<128xf32, #tpu.memory_space<any>>
        %dma_wait3A_1303 = arith.constant 0 : i32
        %dma_wait3A_1304 = tpu.memref_slice %arg1[%while3A_1271, %dma_wait3A_1303] : memref<128x128xf32, #tpu.memory_space<vmem>> -> memref<1x128xf32, #tpu.memory_space<vmem>>
        %dma_wait3A_1305 = tpu.memref_squeeze %dma_wait3A_1304 : memref<1x128xf32, #tpu.memory_space<vmem>> -> memref<128xf32, #tpu.memory_space<vmem>>
        tpu.wait_dma2 semaphore(%arg8 : memref<!tpu.dma_semaphore, #tpu.memory_space<semaphore_mem>>) src(%dma_wait3A_1305 : memref<128xf32, #tpu.memory_space<vmem>>) dst(%dma_wait3A_1302 : memref<128xf32, #tpu.memory_space<any>>)
      } else {
      }
      %while3A_1295 = arith.constant 0 : i32
      scf.yield %while3A_1295 : i32
    }
    %while3A_1269 = arith.constant 1 : i32
    %while3A_1270 = scf.for %while3A_1271 = %while3A_1266 to %while3A_1262 step %while3A_1269 iter_args(%while3A_1272 = %while3A_1268) -> (i32)  : i32 {
      %eq3A_1273 = vector.broadcast %while3A_1271 : i32 to vector<128x1xi32>
      %eq3A_1274 = arith.cmpi eq, %iota3A_1249, %eq3A_1273 : vector<128x1xi32>
      %jit3A_1275 = arith.constant 0.000000e+00 : f32
      %broadcast_in_dim3A_1276 = vector.broadcast %jit3A_1275 : f32 to vector<128x1xf32>
      %select_n3A_1277 = arith.select %eq3A_1274, %broadcast_in_dim3A_1172, %broadcast_in_dim3A_1276 : vector<128x1xi1>, vector<128x1xf32>
      %reduce_sum3A_1278 = vector.shape_cast %select_n3A_1277 : vector<128x1xf32> to vector<1x128x1xf32>
      %reduce_sum3A_1279 = arith.constant dense<0.000000e+00> : vector<1xf32>
      %reduce_sum3A_1280 = vector.multi_reduction <add>, %reduce_sum3A_1278, %reduce_sum3A_1279 [1, 2] : vector<1x128x1xf32> to vector<1xf32>
      %reduce_sum3A_1281 = vector.shape_cast %reduce_sum3A_1280 : vector<1xf32> to vector<1x1x1xf32>
      %reduce_sum3A_1282 = vector.extract %reduce_sum3A_1281[0, 0, 0] : f32 from vector<1x1x1xf32>
      %jit3A_1283 = arith.constant 0 : i32
      %broadcast_in_dim3A_1284 = vector.broadcast %jit3A_1283 : i32 to vector<128x1xi32>
      %select_n3A_1285 = arith.select %eq3A_1274, %add3A_1248, %broadcast_in_dim3A_1284 : vector<128x1xi1>, vector<128x1xi32>
      %reduce_sum3A_1286 = vector.shape_cast %select_n3A_1285 : vector<128x1xi32> to vector<1x128x1xi32>
      %reduce_sum3A_1287 = arith.constant dense<0> : vector<1xi32>
      %reduce_sum3A_1288 = vector.multi_reduction <add>, %reduce_sum3A_1286, %reduce_sum3A_1287 [1, 2] : vector<1x128x1xi32> to vector<1xi32>
      %reduce_sum3A_1289 = vector.shape_cast %reduce_sum3A_1288 : vector<1xi32> to vector<1x1x1xi32>
      %reduce_sum3A_1290 = vector.extract %reduce_sum3A_1289[0, 0, 0] : i32 from vector<1x1x1xi32>
      %gt3A_1291 = arith.constant 5.000000e-01 : f32
      %gt3A_1292 = arith.cmpf ogt, %reduce_sum3A_1282, %gt3A_1291 : f32
      %convert_element_type3A_1293 = arith.extui %gt3A_1292 : i1 to i32
      %cond3A = arith.constant 0 : i32
      %cond3A_1294 = arith.cmpi ne, %convert_element_type3A_1293, %cond3A : i32
      scf.if %cond3A_1294 {
        %dma_start3A = arith.constant 0 : i32
        %dma_start3A_1296 = tpu.memref_slice %arg7[%reduce_sum3A_1290, %dma_start3A] : memref<100000x128xf32, #tpu.memory_space<any>> -> memref<1x128xf32, #tpu.memory_space<any>>
        %dma_start3A_1297 = tpu.memref_squeeze %dma_start3A_1296 : memref<1x128xf32, #tpu.memory_space<any>> -> memref<128xf32, #tpu.memory_space<any>>
        %dma_start3A_1298 = arith.constant 0 : i32
        %dma_start3A_1299 = tpu.memref_slice %arg1[%while3A_1271, %dma_start3A_1298] : memref<128x128xf32, #tpu.memory_space<vmem>> -> memref<1x128xf32, #tpu.memory_space<vmem>>
        %dma_start3A_1300 = tpu.memref_squeeze %dma_start3A_1299 : memref<1x128xf32, #tpu.memory_space<vmem>> -> memref<128xf32, #tpu.memory_space<vmem>>
        tpu.enqueue_dma source(%dma_start3A_1300 : memref<128xf32, #tpu.memory_space<vmem>>) target(%dma_start3A_1297 : memref<128xf32, #tpu.memory_space<any>>) target_semaphore(%arg8 : memref<!tpu.dma_semaphore, #tpu.memory_space<semaphore_mem>>)
        %dma_wait3A = arith.constant 0 : i32
        %dma_wait3A_1301 = tpu.memref_slice %arg7[%reduce_sum3A_1290, %dma_wait3A] : memref<100000x128xf32, #tpu.memory_space<any>> -> memref<1x128xf32, #tpu.memory_space<any>>
        %dma_wait3A_1302 = tpu.memref_squeeze %dma_wait3A_1301 : memref<1x128xf32, #tpu.memory_space<any>> -> memref<128xf32, #tpu.memory_space<any>>
        %dma_wait3A_1303 = arith.constant 0 : i32
        %dma_wait3A_1304 = tpu.memref_slice %arg1[%while3A_1271, %dma_wait3A_1303] : memref<128x128xf32, #tpu.memory_space<vmem>> -> memref<1x128xf32, #tpu.memory_space<vmem>>
        %dma_wait3A_1305 = tpu.memref_squeeze %dma_wait3A_1304 : memref<1x128xf32, #tpu.memory_space<vmem>> -> memref<128xf32, #tpu.memory_space<vmem>>
        tpu.wait_dma2 semaphore(%arg8 : memref<!tpu.dma_semaphore, #tpu.memory_space<semaphore_mem>>) src(%dma_wait3A_1305 : memref<128xf32, #tpu.memory_space<vmem>>) dst(%dma_wait3A_1302 : memref<128xf32, #tpu.memory_space<any>>)
      } else {
      }
      %while3A_1295 = arith.constant 0 : i32
      scf.yield %while3A_1295 : i32
    }
    return
  }
}

</mosaic_0001>

<sc_bundles>
// kernel: kernel.5.cloned.1.call-start
scs
__scs_entry_jumppad:
0x0: {  	(pc) =	sbr.rel $0x88, $3  }
0x1: {  	(tag) =	ssettag $0x0;
	lr =	simm.s32 $0x1  }
0x2: {  	[smem:$0x3F9E] =	sst lr;
	_ =	strace $0xD0000000  }
0x3: {  	_ = 	snop  }
0x4: {  	_ = 	snop  }
0x5: {  	_ = 	snop  }
0x6: {  	_ = 	snop  }
0x7: {  	_ = 	snop  }
__scs_overlays_trampoline_lowered:
0x8: {  	[smem:$0x3FAD] =	sst s0  }
0x9: {  	[smem:$0x3FAE] =	sst s1  }
0xa: {  	[smem:$0x3FAF] =	sst s2  }
0xb: {  	[smem:$0x3FB0] =	sst s3  }
0xc: {  	[smem:$0x3FB1] =	sst s4  }
0xd: {  	[smem:$0x3FB2] =	sst s5  }
0xe: {  	[smem:$0x3FB3] =	sst s6  }
0xf: {  	[smem:$0x3FB4] =	sst s7  }
0x10: {  	[smem:$0x3FB5] =	sst s8  }
0x11: {  	[smem:$0x3FB6] =	sst s9;
	s0 =	simm.s32 @!p0 $0x0  }
0x12: {  	s1 =	sld [smem:$0x3F9C];
	s0 =	simm.s32 @p0 $0x1  }
0x13: {  	[smem:$0x3FB7] =	sst s0;
	s0 =	simm.s32 @!p1 $0x0  }
0x14: {  	s2 =	sld [smem:$0x3F9B];
	s0 =	simm.s32 @p1 $0x1  }
0x15: {  	[smem:$0x3FB8] =	sst s0;
	s0 =	simm.s32 @!p2 $0x0  }
0x16: {  	s3 =	sld [smem:$0x3FDB];
	s0 =	simm.s32 @p2 $0x1  }
0x17: {  	s4 =	simm.s32 $0x1BF5;
	[smem:$0x3FBA] =	sst s0  }
0x18: {  	s0 =	sld [smem:$0x3F9D];
	_ =	swait.ge [sflag:s4], $0x0  }
0x19: {  	s7 =	sld [smem:$0x3F9E]  }
0x1a: {  	s8 =	sadd.s32 $0xFFFFE003, lr  }
0x1b: {  	s9 =	sadd.s32 $0xFFFFFEF7, lr;
	s5 =	simm.s32 $0xFFFFFFFF;
	p2 =	slt.u32 s8, $0xFFFFF086  }
0x1c: {  	p1 =	slt.u32 s9, $0xF7A;
	s5 =	simm.s32 @!p2 $0x0  }
0x1d: {  	s5 =	simm.s32 @p1 $0x1;
	p0 =	seq.s32 s7, s2  }
0x1e: {  	s7 =	smul.u32 @!p0 $0xF7A, s2;
	p2 =	seq.s32 @!p0 s5, $0x0  }
0x1f: {  	s9 =	smul.u32 $0xF7A, s1;
	s8 =	simm.s32 @!p0 $0x1BF5;
	p2 =	por !p2, p0  }
0x20: {  	[sflag:s8] =	ssyncset.s32 @!p0 $0xFFFFF086;
	s6 =	sadd.s32 @!p0 s3, s7;
	s7 =	simm.s32 @!p0 $0x108  }
0x21: {  	s3 =	sadd.s32 s3, s9;
	s6 =	sadd.s32 @!p0 $0x88, s6;
	s7 =	simm.s32 @p2 $0x1082  }
0x22: {  	[simem:s7], [sflag:s8] =	dma.local @!p0 [hbm:s6], $0xF7A  }
0x23: {  	s9 =	sor.u32 $0xD0000000, s2;
	s6 =	simm.s32 $0x108;
	_ =	swait.ge @!p0 [sflag:s8], $0x0  }
0x24: {  	s3 =	sadd.s32 $0x88, s3;
	s6 =	simm.s32 @!p1 $0x1082;
	[sflag:s4] =	ssyncset.s32 $0xFFFFF086  }
0x25: {  	[simem:s6], [sflag:s4] =	dma.local [hbm:s3], $0xF7A  }
0x26: {  	[smem:$0x3F9E] =	sst s1;
	(tag) =	ssettag s2;
	_ =	strace s9  }
0x27: {  	s1 =	sld [smem:$0x3FAE]  }
0x28: {  	s2 =	sld [smem:$0x3FAF]  }
0x29: {  	s4 =	sld [smem:$0x3FB1]  }
0x2a: {  	p0 =	seq.s32 s5, $0x0;
	s5 =	sld [smem:$0x3FB2]  }
0x2b: {  	s6 =	sld [smem:$0x3FB3]  }
0x2c: {  	s7 =	sld [smem:$0x3FB4]  }
0x2d: {  	s3 =	simm.s32 $0x108;
	s8 =	sld [smem:$0x3FB5]  }
0x2e: {  	s3 =	simm.s32 @!p0 $0x1082;
	s9 =	sld [smem:$0x3FB6]  }
0x2f: {  	lr =	sadd.s32 s0, s3;
	s0 =	sld [smem:$0x3FAD]  }
0x30: {  	s3 =	sld [smem:$0x3FB0]  }
0x31: {  	[smem:$0x3FB9] =	sst s10  }
0x32: {  	s10 =	sld [smem:$0x3FB7];
	_ =	sdelay $0x3  }
0x33: {  	p0 =	seq.s32 s10, $0x1;
	s10 =	sld [smem:$0x3FB9];
	_ =	sdelay $0x3  }
0x34: {  	[smem:$0x3FB9] =	sst s10  }
0x35: {  	s10 =	sld [smem:$0x3FB8];
	_ =	sdelay $0x3  }
0x36: {  	p1 =	seq.s32 s10, $0x1;
	s10 =	sld [smem:$0x3FB9];
	_ =	sdelay $0x3  }
0x37: {  	[smem:$0x3FB9] =	sst s10  }
0x38: {  	s10 =	sld [smem:$0x3FBA]  }
0x39: {  	_ = 	snop;
	(pc) =	sbr.ind lr, $3  }
0x3a: {  	_ = 	snop  }
0x3b: {  	_ = 	snop  }
0x3c: {  	p2 =	seq.s32 s10, $0x1;
	s10 =	sld [smem:$0x3FB9]  }
0x3d: {  	_ =	shalt  }
0x3e: {  	_ =	shalt  }
0x3f: {  	_ =	shalt  }
0x40: {  	_ =	shalt  }
0x41: {  	_ =	shalt  }
0x42: {  	_ =	shalt  }
0x43: {  	_ =	shalt  }
0x44: {  	_ =	shalt  }
0x45: {  	_ =	shalt  }
0x46: {  	_ =	shalt  }
0x47: {  	_ =	shalt  }
0x48: {  	_ =	shalt  }
0x49: {  	_ =	shalt  }
0x4a: {  	_ =	shalt  }
0x4b: {  	_ =	shalt  }
0x4c: {  	_ =	shalt  }
0x4d: {  	_ =	shalt  }
0x4e: {  	_ =	shalt  }
0x4f: {  	_ =	shalt  }
0x50: {  	_ =	shalt  }
0x51: {  	_ =	shalt  }
0x52: {  	_ =	shalt  }
0x53: {  	_ =	shalt  }
0x54: {  	_ =	shalt  }
0x55: {  	_ =	shalt  }
0x56: {  	_ =	shalt  }
0x57: {  	_ =	shalt  }
0x58: {  	_ =	shalt  }
0x59: {  	_ =	shalt  }
0x5a: {  	_ =	shalt  }
0x5b: {  	_ =	shalt  }
0x5c: {  	_ =	shalt  }
0x5d: {  	_ =	shalt  }
0x5e: {  	_ =	shalt  }
0x5f: {  	_ =	shalt  }
0x60: {  	_ =	shalt  }
0x61: {  	_ =	shalt  }
0x62: {  	_ =	shalt  }
0x63: {  	_ =	shalt  }
0x64: {  	_ =	shalt  }
0x65: {  	_ =	shalt  }
0x66: {  	_ =	shalt  }
0x67: {  	_ =	shalt  }
0x68: {  	_ =	shalt  }
0x69: {  	_ =	shalt  }
0x6a: {  	_ =	shalt  }
0x6b: {  	_ =	shalt  }
0x6c: {  	_ =	shalt  }
0x6d: {  	_ =	shalt  }
0x6e: {  	_ =	shalt  }
0x6f: {  	_ =	shalt  }
0x70: {  	_ =	shalt  }
0x71: {  	_ =	shalt  }
0x72: {  	_ =	shalt  }
0x73: {  	_ =	shalt  }
0x74: {  	_ =	shalt  }
0x75: {  	_ =	shalt  }
0x76: {  	_ =	shalt  }
0x77: {  	_ =	shalt  }
0x78: {  	_ =	shalt  }
0x79: {  	_ =	shalt  }
0x7a: {  	_ =	shalt  }
0x7b: {  	_ =	shalt  }
0x7c: {  	_ =	shalt  }
0x7d: {  	_ =	shalt  }
0x7e: {  	_ =	shalt  }
0x7f: {  	_ =	shalt  }
0x80: {  	_ =	shalt  }
0x81: {  	_ =	shalt  }
0x82: {  	_ =	shalt  }
0x83: {  	_ =	shalt  }
0x84: {  	_ =	shalt  }
0x85: {  	_ =	shalt  }
0x86: {  	_ =	shalt  }
0x87: {  	_ =	shalt  }
.Lfunc_end0:
.L_simem_size_0:
called_computation_lowered:
.L_overlay_start_0:
0x88: {  	s2 =	sld [smem:$0x3FD9]  }
0x89: {  	s3 =	sld [smem:$0x3FFE];
	_ =	sdelay $0x1  }
0x8a: {  	s1 =	srdreg.scid  }
0x8b: {  	s0 =	sand.u32 $0x1, s1  }
0x8c: {  	s17 =	sshll.u32 s0, $0xA;
	s2 =	sadd.s32 s3, s2  }
0x8d: {  	s2 =	sadd.s32 s2, s17  }
0x8e: {  	[smem:$0x3FC5] =	sst s2  }
0x8f: {  	_ = 	snop  }
0x90: {  	s2 =	sld [smem:$0x3FC7];
	(tm) =	ssettm $0x1  }
0x91: {  	s18 =	sld [smem:$0x3FFB];
	_ =	sdelay $0x3  }
0x92: {  	_ =	strace s18  }
0x93: {  	s3 =	sld [smem:$0x3FFC];
	_ =	sdelay $0x3  }
0x94: {  	_ =	strace s3  }
0x95: {  	s3 =	sld [smem:$0x3FFD];
	_ =	sdelay $0x3  }
0x96: {  	_ =	strace s3  }
0x97: {  	_ =	strace $0x8FFFFFFF  }
0x98: {  	s19 =	sld [smem:$0x3FDB];
	_ =	sdelay $0x1  }
0x99: {  	s4 =	simm.s32 $_scs_section_size  }
0x9a: {  	s5 =	simm.s32 $_size__tile_overlayer_lowered;
	s6 =	simm.s32 $_tile_overlayer_lowered  }
0x9b: {  	s22 =	simm.s32 $0x1BFF;
	s21 =	sshll.u32 s6, $0x1;
	s3 =	sadd.s32 s4, s19  }
0x9c: {  	s7 =	simm.s32 $0x0;
	s20 =	sshll.u32 s5, $0x1;
	s5 =	sadd.s32 s21, s3  }
0x9d: {  	[timem:s7], [sflag:s22] =	dma.local [hbm:s5], s20  }
0x9e: {  	_ =	swait.ge [sflag:s22], s20  }
0x9f: {  	s4 =	ssub.s32 $0x0, s20;
	[sflag:s22] =	ssyncset.done $0x0  }
0xa0: {  	[sflag:s22] =	ssyncadd.s32 s4;
	_ =	sdelay $0x1  }
0xa1: {  	s23 =	simm.s32 $0x1B8B  }
0xa2: {  	_ =	swait.ge [sflag:s23], $0x1  }
0xa3: {  	[sflag:s23] =	ssyncset.done $0x0  }
0xa4: {  	s25 =	simm.s32 $0x1B8E;
	s24 =	sld [smem:$0x3FFE];
	[sflag:s23] =	ssyncadd.s32 $0xFFFFFFFF  }
0xa5: {  	s26 =	simm.s32 $execute0_lowered;
	[smem:$0x3FD2] =	sst s25  }
0xa6: {  	s5 =	sshll.u32 s26, $0x1;
	_ =	strace $0x80000046;
	[dreg:$0x1] =	wrdreg $0xFFFFFFFF  }
0xa7: {  	s28 =	simm.s32 $_size_execute0_lowered;
	s3 =	sadd.s32 s3, s5;
	[dreg:$0x0] =	wrdreg $0x0  }
0xa8: {  	s5 =	sshll.u32 s28, $0x1;
	[dreg:$0x2] =	wrdreg s3  }
0xa9: {  	[dreg:$0x3] =	wrdreg s5  }
0xaa: {  	[dreg:$0x4] =	wrdreg $0xC0  }
0xab: {  	_ =	task [dreg:s7], $0x5FFFF  }
0xac: {  	[dreg:$0x1] =	wrdreg $0xFFFFFFFF  }
0xad: {  	[dreg:$0x0] =	wrdreg $0x60  }
0xae: {  	[dreg:$0x2] =	wrdreg s2  }
0xaf: {  	[dreg:$0x3] =	wrdreg s24  }
0xb0: {  	[dreg:$0x4] =	wrdreg $0x9  }
0xb1: {  	_ =	task.clear_ibuf [dreg:s7], $0x5FFFF;
	_ =	strace $0x90000046  }
0xb2: {  	s29 =	simm.s32 $0x9;
	_ =	strace $0x80000048  }
0xb3: {  	_ =	swait.ge [sflag:s29], $0x1  }
0xb4: {  	[sflag:s29] =	ssyncadd.s32 $0xFFFFFFFF  }
0xb5: {  	_ =	strace $0x90000048  }
0xb6: {  	_ =	sfence  }
0xb7: {  	s30 =	sld [smem:$0x0];
	_ =	sdelay $0x2  }
0xb8: {  	s31 =	sshll.u32 s1, $0xD;
	s1 =	sshrl.u32 s1, $0x2  }
0xb9: {  	s3 =	sand.u32 $0x4000, s31;
	s1 =	sadd.s32 s1, s30  }
0xba: {  	s0 =	sor.u32 s3, s0;
	s1 =	sshll.u32 s1, $0x11  }
0xbb: {  	s0 =	sor.u32 s1, s0  }
0xbc: {  	s0 =	sadd.s32 $0x8F2B, s0  }
0xbd: {  	[sflag:s0] =	ssyncadd.remote.s32 $0x1  }
0xbe: {  	_ =	sfence.sel $0xFFFF  }
0xbf: {  	[dreg:$0x0] =	wrdreg $0xFFFFFFFF;
	(pc) =	sbr.abs _section_cstart, $3  }
0xc0: {  	[dreg:$0x1] =	wrdreg $0xFFFFFFFF  }
0xc1: {  	_ =	task.clear_ibuf [dreg:s7], $0x2FFFF;
	_ =	strace $0x9FFFFFFF  }
0xc2: {  	(tm) =	ssettm $0x7FFFFFFF  }
0xc3: {  	_ =	shalt  }
tec
execute0_lowered:
.L_overlay_start_1:
0x0: {  	(tag) =	ssettag $0x1  }
0x1: {  	s1 =	srdreg.scid;
	s0 =	stileid.u32  }
0x2: {  	s2 =	rddreg [dreg:$0x0];
	s6 =	sand.u32 $0x1, s1;
	s30 =	sshll.u32 s0, $0x1  }
0x3: {  	s9 =	rddreg [dreg:$0x1];
	s7 =	sor.u32 s6, s30  }
0x4: {  	s3 =	simm.s32 $0x0;
	s1 =	rddreg [dreg:$0x2];
	s4 =	smul.u32 $0x5, s7  }
0x5: {  	s8 =	simm.s32 $0x1;
	[smem:$0x7FF] =	sst s3  }
0x6: {  	_ =	strace $0x80000047;
	s11 =	ssub.s32 $0x2, s6;
	s4 =	sadd.s32 s4, s9  }
0x7: {  	s6 =	simm.s32 $0x28;
	s5 =	sadd.s32 $0xE00, s4;
	s4 =	simm.s32 $0x2  }
0x8: {  	[tilespmem:s3], [sflag:$0x2] =	stream.linear.gather [hbm4b:s5+s3], $0x28, $0x38;
	[tilespmem:$0x1480] =	vst v63  }
0x9: {  	s10 =	smul.u32 $0x280, s7;
	s12 =	sshrl.u32 s11, $0x1;
	_ =	swait.ge [sflag:s4], $0x28  }
0xa: {  	s7 =	simm.s32 $0x80;
	s31 =	ssub.s32 s11, s12;
	[sflag:s4] =	ssyncset.done $0x0  }
0xb: {  	s9 =	sadd.s32 s10, s9;
	s10 =	smax.u32 s31, $0x1;
	[sflag:s4] =	ssyncadd.s32 $0xFFFFFFD8  }
0xc: {  	[tilespmem:s7], [sflag:$0x1] =	stream.indirect.gather [hbm4b:s2+s6], $0x80, s3, s6, $0xb8;
	[tilespmem:$0x1480] =	vst v63  }
0xd: {  	p0 =	sne.s32 s10, $0x1;
	_ =	swait.ge [sflag:s8], $0x1400  }
.Ltmp0:
0xe: {  	[sflag:s8] =	ssyncset.done $0x0;
	(pc) =	sbr.rel @!p0 .LBB2_2-.Ltmp0, $4  }
0xf: {  	s9 =	sadd.s32 $0x1000, s9;
	[sflag:s8] =	ssyncadd.s32 $0xFFFFEC00  }
0x10: {  	[hbm4b:s9+s3] =	stream.linear.scatter [tilespmem:s7], [sflag:$0x2], $0x1400, $0x38;
	[tilespmem:$0x1480] =	vst v63  }
0x11: {  	_ =	swait.ge [sflag:s4], $0x1400  }
0x12: {  	s10 =	sadd.s32 $0xFFFFFFFF, s10;
	[sflag:s4] =	ssyncset.done $0x0  }
.LBB2_1:
0x13: {  	p0 =	sne.s32 s10, $0x1;
	s10 =	sadd.s32 $0xFFFFFFFF, s10;
	[sflag:s4] =	ssyncadd.s32 $0xFFFFEC00  }
0x14: {  	[tilespmem:s3], [sflag:$0x2] =	stream.linear.gather [hbm4b:s5+s3], $0x28, $0x38;
	[tilespmem:$0x1480] =	vst v63  }
0x15: {  	_ =	swait.ge [sflag:s4], $0x28  }
0x16: {  	[sflag:s4] =	ssyncset.done $0x0  }
0x17: {  	[sflag:s4] =	ssyncadd.s32 $0xFFFFFFD8  }
0x18: {  	[tilespmem:s7], [sflag:$0x1] =	stream.indirect.gather [hbm4b:s2+s6], $0x80, s3, s6, $0xb8;
	[tilespmem:$0x1480] =	vst v63  }
0x19: {  	_ =	swait.ge [sflag:s8], $0x1400  }
.Ltmp1:
0x1a: {  	[sflag:s8] =	ssyncset.done $0x0;
	(pc) =	sbr.rel @p0 .LBB2_1-.Ltmp1, $4  }
0x1b: {  	[sflag:s8] =	ssyncadd.s32 $0xFFFFEC00  }
0x1c: {  	[hbm4b:s9+s3] =	stream.linear.scatter [tilespmem:s7], [sflag:$0x2], $0x1400, $0x38;
	[tilespmem:$0x1480] =	vst v63  }
0x1d: {  	_ =	swait.ge [sflag:s4], $0x1400  }
0x1e: {  	[sflag:s4] =	ssyncset.done $0x0  }
.LBB2_2:
0x1f: {  	[sflag:s4] =	ssyncadd.s32 $0xFFFFEC00  }
0x20: {  	_ =	sfence.sel $0x180000  }
0x21: {  	[bflag:$0x0] =	sbarrier.arrive $0xFFFF  }
0x22: {  	p0 =	sne.s32 s0, $0x0;
	_ =	strace $0x90000047  }
0x23: {  	s0 =	sadd.s32 @!p0 $0x100000, s1;
	[bflag:$0x2] =	sbarrier.arrive $0xFFFF  }
0x24: {  	[sflag:s0] =	ssyncadd.tile.s32 @!p0 $0x1;
	_ =	shalt  }
.Lfunc_end2:
_tile_overlayer_lowered:
.L_overlay_start_2:
0x25: {  	(tag) =	ssettag $0x2  }
0x26: {  	s0 =	rddreg [dreg:$0x0];
	s2 =	stileid.u32  }
0x27: {  	s1 =	rddreg [dreg:$0x1];
	p0 =	sne.s32 s2, $0x0  }
0x28: {  	s3 =	rddreg [dreg:$0x2];
	[bflag:$0x3] =	sbarrier.arrive $0xFFFF;
	s2 =	simm.s32 @!p0 $0x1C02  }
0x29: {  	[timem:s3], [sflag:s2] =	dma.local @!p0 [hbm:s0], s1  }
0x2a: {  	s0 =	simm.s32 @!p0 $0x2  }
0x2b: {  	_ =	swait.ge @!p0 [sflag:s0], s1  }
0x2c: {  	s1 =	ssub.s32 @!p0 $0x0, s1;
	[sflag:s0] =	ssyncset.done @!p0 $0x0  }
0x2d: {  	[sflag:s0] =	ssyncadd.s32 @!p0 s1  }
0x2e: {  	[bflag:$0x3] =	sbarrier.arrive $0xFFFF  }
0x2f: {  	_ =	shalt  }

</sc_bundles>
